<compile_context>
chip_gen: v7x
topology: tpu7x:2x2x1
jax: 0.10.2.dev20260603
libtpu: 0.0.44.dev20260713+nightly
codegen_flags: <defaults>
</compile_context>

<pallas_src>
import functools

import jax
import jax.numpy as jnp
from jax import lax
from jax.experimental import pallas as pl
from jax.experimental.pallas import tpu as pltpu
from jax.experimental.pallas import tpu_sc as plsc

VOCAB = 1000000
DIM = 128
BATCH = 1024
SEQ = 200

NC = 2
NS = 16
NW = NC * NS

N = BATCH * SEQ
ROWS_PER_W = N // NW
CHUNK = 80
NCHUNK = ROWS_PER_W // CHUNK


NBUF = 10
NITER = NCHUNK // NBUF


def _gather_kernel(table_hbm, idx_hbm, out_hbm, idx_v, *sc):
    bufs = sc[:NBUF]
    gsems = sc[NBUF:2 * NBUF]
    osems = sc[2 * NBUF:3 * NBUF]
    wid = lax.axis_index("s") * NC + lax.axis_index("c")
    base = wid * ROWS_PER_W
    pltpu.sync_copy(idx_hbm.at[pl.ds(base, ROWS_PER_W)], idx_v)

    def fire_gather(c, j):
        pltpu.async_copy(table_hbm.at[idx_v.at[pl.ds(c * CHUNK, CHUNK)]],
                         bufs[j], gsems[j])

    def drain_gather(j):
        pltpu.make_async_copy(table_hbm.at[idx_v.at[pl.ds(0, CHUNK)]],
                              bufs[j], gsems[j]).wait()

    def fire_write(c, j):
        pltpu.async_copy(bufs[j], out_hbm.at[pl.ds(base + c * CHUNK, CHUNK)],
                         osems[j])

    def drain_write(j):
        pltpu.make_async_copy(bufs[j], out_hbm.at[pl.ds(base, CHUNK)],
                              osems[j]).wait()

    for j in range(NBUF):
        fire_gather(j, j)

    def body(t, _):
        c0 = t * NBUF

        def refill(j):
            @pl.when(t < NITER - 1)
            def _():
                drain_write(j)
                fire_gather(c0 + NBUF + j, j)

        for j in range(NBUF):
            drain_gather(j)
            fire_write(c0 + j, j)
            if j >= 1:
                refill(j - 1)
        refill(NBUF - 1)
        return 0

    lax.fori_loop(0, NITER, body, 0)
    for j in range(NBUF):
        drain_write(j)


@jax.jit
def _gather(table, idx_flat):
    mesh = plsc.VectorSubcoreMesh(core_axis_name="c", subcore_axis_name="s")
    return pl.kernel(
        _gather_kernel,
        out_type=jax.ShapeDtypeStruct((N, DIM), jnp.float32),
        mesh=mesh,
        scratch_types=(
            [pltpu.VMEM((ROWS_PER_W,), jnp.int32)]
            + [pltpu.VMEM((CHUNK, DIM), jnp.float32)] * NBUF
            + [pltpu.SemaphoreType.DMA] * (2 * NBUF)
        ),
    )(table, idx_flat)


def kernel(input_ids, W, P, gamma, beta):
    idx_flat = input_ids.reshape(-1).astype(jnp.int32)
    out = _gather(W, idx_flat)
    return out.reshape(BATCH, SEQ, DIM)

# --- scband reference (transcript-rebuilt; emitter-appended) ---
"""Pipeline reference for scband-embeddings-86208583565466 (READ-ONLY COPY).

The authoritative reference and input builder live on the scoring server;
editing this copy changes nothing except your own understanding.
"""

import jax, jax.numpy as jnp
import numpy as np

VOCAB = 1000000
DIM = 128
MAX_POS = 512
BATCH = 1024
SEQ = 200


def setup_inputs(seed: int = 0) -> dict:
    key = jax.random.key(seed)
    k1, k2, k3 = jax.random.split(key, 3)
    input_ids = jax.random.randint(k1, (BATCH, SEQ), 0, VOCAB)
    W = jax.random.normal(k2, (VOCAB, DIM), dtype=jnp.float32) * 0.02
    P = jax.random.normal(k3, (MAX_POS, DIM), dtype=jnp.float32) * 0.02
    gamma = jnp.ones((DIM,), dtype=jnp.float32)
    beta = jnp.zeros((DIM,), dtype=jnp.float32)
    return {"input_ids": input_ids, "W": W, "P": P, "gamma": gamma, "beta": beta}


def reference(input_ids, W, P, gamma, beta):
    seq_length = input_ids.shape[1]
    position_ids = jnp.arange(MAX_POS)[None, :][:, :seq_length]
    word_embeddings = jnp.take(W, input_ids, axis=0)
    position_embeddings = jnp.take(P, position_ids, axis=0)
    embeddings = word_embeddings + position_embeddings
    mean = jnp.mean(embeddings, axis=-1, keepdims=True)
    var = jnp.var(embeddings, axis=-1, keepdims=True)
    embeddings = (embeddings - mean) / jnp.sqrt(var + 1e-12) * gamma + beta
    # dropout is identity in eval mode; note: original forward then re-assigns
    # embeddings to a fresh word-embedding lookup, discarding the LN result.
    embeddings = jnp.take(W, input_ids, axis=0)
    return embeddings

if __name__ == "__main__":
    import jax
    _d = setup_inputs()
    print(jax.jit(kernel)(*tuple(_d.values())))

</pallas_src>

<mosaic_0001>
#map = affine_map<(d0, d1) -> (0, 0)>
#map1 = affine_map<(d0, d1) -> (0)>
module attributes {stable_mosaic.version = 14 : i64} {
  func.func @_gather_kernel(%arg0: i32, %arg1: i32, %arg2: memref<1000000x128xf32, #tpu.memory_space<hbm>>, %arg3: memref<204800xi32, #tpu.memory_space<hbm>>, %arg4: memref<204800x128xf32, #tpu.memory_space<hbm>>, %arg5: memref<6400xi32, #tpu.memory_space<vmem>>, %arg6: memref<80x128xf32, #tpu.memory_space<vmem>>, %arg7: memref<80x128xf32, #tpu.memory_space<vmem>>, %arg8: memref<80x128xf32, #tpu.memory_space<vmem>>, %arg9: memref<80x128xf32, #tpu.memory_space<vmem>>, %arg10: memref<80x128xf32, #tpu.memory_space<vmem>>, %arg11: memref<80x128xf32, #tpu.memory_space<vmem>>, %arg12: memref<80x128xf32, #tpu.memory_space<vmem>>, %arg13: memref<80x128xf32, #tpu.memory_space<vmem>>, %arg14: memref<80x128xf32, #tpu.memory_space<vmem>>, %arg15: memref<80x128xf32, #tpu.memory_space<vmem>>, %arg16: memref<!tpu.dma_semaphore, #tpu.memory_space<semaphore_mem>>, %arg17: memref<!tpu.dma_semaphore, #tpu.memory_space<semaphore_mem>>, %arg18: memref<!tpu.dma_semaphore, #tpu.memory_space<semaphore_mem>>, %arg19: memref<!tpu.dma_semaphore, #tpu.memory_space<semaphore_mem>>, %arg20: memref<!tpu.dma_semaphore, #tpu.memory_space<semaphore_mem>>, %arg21: memref<!tpu.dma_semaphore, #tpu.memory_space<semaphore_mem>>, %arg22: memref<!tpu.dma_semaphore, #tpu.memory_space<semaphore_mem>>, %arg23: memref<!tpu.dma_semaphore, #tpu.memory_space<semaphore_mem>>, %arg24: memref<!tpu.dma_semaphore, #tpu.memory_space<semaphore_mem>>, %arg25: memref<!tpu.dma_semaphore, #tpu.memory_space<semaphore_mem>>, %arg26: memref<!tpu.dma_semaphore, #tpu.memory_space<semaphore_mem>>, %arg27: memref<!tpu.dma_semaphore, #tpu.memory_space<semaphore_mem>>, %arg28: memref<!tpu.dma_semaphore, #tpu.memory_space<semaphore_mem>>, %arg29: memref<!tpu.dma_semaphore, #tpu.memory_space<semaphore_mem>>, %arg30: memref<!tpu.dma_semaphore, #tpu.memory_space<semaphore_mem>>, %arg31: memref<!tpu.dma_semaphore, #tpu.memory_space<semaphore_mem>>, %arg32: memref<!tpu.dma_semaphore, #tpu.memory_space<semaphore_mem>>, %arg33: memref<!tpu.dma_semaphore, #tpu.memory_space<semaphore_mem>>, %arg34: memref<!tpu.dma_semaphore, #tpu.memory_space<semaphore_mem>>, %arg35: memref<!tpu.dma_semaphore, #tpu.memory_space<semaphore_mem>>) attributes {dimension_semantics = [#tpu.dimension_semantics<core_parallel>, #tpu.dimension_semantics<subcore_parallel>], iteration_bounds = array<i64: 2, 16>, scalar_prefetch = 0 : i64, scratch_operands = 31 : i64, tpu.core_type = #tpu.core_type<sc_vector_subcore>, window_params = [{transform_indices = #map}, {transform_indices = #map1}, {transform_indices = #map}]} {
    %mul3A = arith.constant 2 : i32
    %mul3A_0 = arith.muli %arg1, %mul3A : i32
    %add3A = arith.addi %mul3A_0, %arg0 : i32
    %mul3A_1 = arith.constant 6400 : i32
    %mul3A_2 = arith.muli %add3A, %mul3A_1 : i32
    "tpu.region"() ({
      %run_scoped3A = tpu.sem_alloc : memref<!tpu.dma_semaphore, #tpu.memory_space<semaphore_mem>>
      %dma_start3A_97 = tpu.memref_slice %arg3[%mul3A_2] : memref<204800xi32, #tpu.memory_space<hbm>> -> memref<6400xi32, #tpu.memory_space<hbm>>
      %dma_start3A_98 = tpu.memref_slice %arg3[%mul3A_2] : memref<204800xi32, #tpu.memory_space<hbm>> -> memref<6400xi32, #tpu.memory_space<hbm>>
      tpu.enqueue_dma source(%dma_start3A_98 : memref<6400xi32, #tpu.memory_space<hbm>>) target(%arg5 : memref<6400xi32, #tpu.memory_space<vmem>>) target_semaphore(%run_scoped3A : memref<!tpu.dma_semaphore, #tpu.memory_space<semaphore_mem>>)
      %dma_wait3A_99 = tpu.memref_slice %arg3[%mul3A_2] : memref<204800xi32, #tpu.memory_space<hbm>> -> memref<6400xi32, #tpu.memory_space<hbm>>
      %dma_wait3A_100 = tpu.memref_slice %arg3[%mul3A_2] : memref<204800xi32, #tpu.memory_space<hbm>> -> memref<6400xi32, #tpu.memory_space<hbm>>
      tpu.wait_dma2 semaphore(%run_scoped3A : memref<!tpu.dma_semaphore, #tpu.memory_space<semaphore_mem>>) src(%dma_wait3A_100 : memref<6400xi32, #tpu.memory_space<hbm>>) dst(%arg5 : memref<6400xi32, #tpu.memory_space<vmem>>)
      tpu.yield
    }) : () -> ()
    %dma_start3A = arith.constant 0 : i32
    %dma_start3A_3 = tpu.memref_slice %arg5[%dma_start3A] : memref<6400xi32, #tpu.memory_space<vmem>> -> memref<80xi32, #tpu.memory_space<vmem>>
    %dma_start3A_4 = arith.constant 0 : i32
    %dma_start3A_5 = arith.constant 0 : i32
    %dma_start3A_6 = tpu.memref_slice %arg2[%dma_start3A_4, %dma_start3A_5] : memref<1000000x128xf32, #tpu.memory_space<hbm>> -> memref<1000000x128xf32, #tpu.memory_space<hbm>>
    tpu.enqueue_indirect_dma source(%dma_start3A_6 : memref<1000000x128xf32, #tpu.memory_space<hbm>>) target(%arg6 : memref<80x128xf32, #tpu.memory_space<vmem>>) offsets(%dma_start3A_3 : memref<80xi32, #tpu.memory_space<vmem>>) semaphore(%arg16 : memref<!tpu.dma_semaphore, #tpu.memory_space<semaphore_mem>>)
    %dma_start3A_7 = arith.constant 80 : i32
    %dma_start3A_8 = tpu.memref_slice %arg5[%dma_start3A_7] : memref<6400xi32, #tpu.memory_space<vmem>> -> memref<80xi32, #tpu.memory_space<vmem>>
    %dma_start3A_9 = arith.constant 0 : i32
    %dma_start3A_10 = arith.constant 0 : i32
    %dma_start3A_11 = tpu.memref_slice %arg2[%dma_start3A_9, %dma_start3A_10] : memref<1000000x128xf32, #tpu.memory_space<hbm>> -> memref<1000000x128xf32, #tpu.memory_space<hbm>>
    tpu.enqueue_indirect_dma source(%dma_start3A_11 : memref<1000000x128xf32, #tpu.memory_space<hbm>>) target(%arg7 : memref<80x128xf32, #tpu.memory_space<vmem>>) offsets(%dma_start3A_8 : memref<80xi32, #tpu.memory_space<vmem>>) semaphore(%arg17 : memref<!tpu.dma_semaphore, #tpu.memory_space<semaphore_mem>>)
    %dma_start3A_12 = arith.constant 160 : i32
    %dma_start3A_13 = tpu.memref_slice %arg5[%dma_start3A_12] : memref<6400xi32, #tpu.memory_space<vmem>> -> memref<80xi32, #tpu.memory_space<vmem>>
    %dma_start3A_14 = arith.constant 0 : i32
    %dma_start3A_15 = arith.constant 0 : i32
    %dma_start3A_16 = tpu.memref_slice %arg2[%dma_start3A_14, %dma_start3A_15] : memref<1000000x128xf32, #tpu.memory_space<hbm>> -> memref<1000000x128xf32, #tpu.memory_space<hbm>>
    tpu.enqueue_indirect_dma source(%dma_start3A_16 : memref<1000000x128xf32, #tpu.memory_space<hbm>>) target(%arg8 : memref<80x128xf32, #tpu.memory_space<vmem>>) offsets(%dma_start3A_13 : memref<80xi32, #tpu.memory_space<vmem>>) semaphore(%arg18 : memref<!tpu.dma_semaphore, #tpu.memory_space<semaphore_mem>>)
    %dma_start3A_17 = arith.constant 240 : i32
    %dma_start3A_18 = tpu.memref_slice %arg5[%dma_start3A_17] : memref<6400xi32, #tpu.memory_space<vmem>> -> memref<80xi32, #tpu.memory_space<vmem>>
    %dma_start3A_19 = arith.constant 0 : i32
    %dma_start3A_20 = arith.constant 0 : i32
    %dma_start3A_21 = tpu.memref_slice %arg2[%dma_start3A_19, %dma_start3A_20] : memref<1000000x128xf32, #tpu.memory_space<hbm>> -> memref<1000000x128xf32, #tpu.memory_space<hbm>>
    tpu.enqueue_indirect_dma source(%dma_start3A_21 : memref<1000000x128xf32, #tpu.memory_space<hbm>>) target(%arg9 : memref<80x128xf32, #tpu.memory_space<vmem>>) offsets(%dma_start3A_18 : memref<80xi32, #tpu.memory_space<vmem>>) semaphore(%arg19 : memref<!tpu.dma_semaphore, #tpu.memory_space<semaphore_mem>>)
    %dma_start3A_22 = arith.constant 320 : i32
    %dma_start3A_23 = tpu.memref_slice %arg5[%dma_start3A_22] : memref<6400xi32, #tpu.memory_space<vmem>> -> memref<80xi32, #tpu.memory_space<vmem>>
    %dma_start3A_24 = arith.constant 0 : i32
    %dma_start3A_25 = arith.constant 0 : i32
    %dma_start3A_26 = tpu.memref_slice %arg2[%dma_start3A_24, %dma_start3A_25] : memref<1000000x128xf32, #tpu.memory_space<hbm>> -> memref<1000000x128xf32, #tpu.memory_space<hbm>>
    tpu.enqueue_indirect_dma source(%dma_start3A_26 : memref<1000000x128xf32, #tpu.memory_space<hbm>>) target(%arg10 : memref<80x128xf32, #tpu.memory_space<vmem>>) offsets(%dma_start3A_23 : memref<80xi32, #tpu.memory_space<vmem>>) semaphore(%arg20 : memref<!tpu.dma_semaphore, #tpu.memory_space<semaphore_mem>>)
    %dma_start3A_27 = arith.constant 400 : i32
    %dma_start3A_28 = tpu.memref_slice %arg5[%dma_start3A_27] : memref<6400xi32, #tpu.memory_space<vmem>> -> memref<80xi32, #tpu.memory_space<vmem>>
    %dma_start3A_29 = arith.constant 0 : i32
    %dma_start3A_30 = arith.constant 0 : i32
    %dma_start3A_31 = tpu.memref_slice %arg2[%dma_start3A_29, %dma_start3A_30] : memref<1000000x128xf32, #tpu.memory_space<hbm>> -> memref<1000000x128xf32, #tpu.memory_space<hbm>>
    tpu.enqueue_indirect_dma source(%dma_start3A_31 : memref<1000000x128xf32, #tpu.memory_space<hbm>>) target(%arg11 : memref<80x128xf32, #tpu.memory_space<vmem>>) offsets(%dma_start3A_28 : memref<80xi32, #tpu.memory_space<vmem>>) semaphore(%arg21 : memref<!tpu.dma_semaphore, #tpu.memory_space<semaphore_mem>>)
    %dma_start3A_32 = arith.constant 480 : i32
    %dma_start3A_33 = tpu.memref_slice %arg5[%dma_start3A_32] : memref<6400xi32, #tpu.memory_space<vmem>> -> memref<80xi32, #tpu.memory_space<vmem>>
    %dma_start3A_34 = arith.constant 0 : i32
    %dma_start3A_35 = arith.constant 0 : i32
    %dma_start3A_36 = tpu.memref_slice %arg2[%dma_start3A_34, %dma_start3A_35] : memref<1000000x128xf32, #tpu.memory_space<hbm>> -> memref<1000000x128xf32, #tpu.memory_space<hbm>>
    tpu.enqueue_indirect_dma source(%dma_start3A_36 : memref<1000000x128xf32, #tpu.memory_space<hbm>>) target(%arg12 : memref<80x128xf32, #tpu.memory_space<vmem>>) offsets(%dma_start3A_33 : memref<80xi32, #tpu.memory_space<vmem>>) semaphore(%arg22 : memref<!tpu.dma_semaphore, #tpu.memory_space<semaphore_mem>>)
    %dma_start3A_37 = arith.constant 560 : i32
    %dma_start3A_38 = tpu.memref_slice %arg5[%dma_start3A_37] : memref<6400xi32, #tpu.memory_space<vmem>> -> memref<80xi32, #tpu.memory_space<vmem>>
    %dma_start3A_39 = arith.constant 0 : i32
    %dma_start3A_40 = arith.constant 0 : i32
    %dma_start3A_41 = tpu.memref_slice %arg2[%dma_start3A_39, %dma_start3A_40] : memref<1000000x128xf32, #tpu.memory_space<hbm>> -> memref<1000000x128xf32, #tpu.memory_space<hbm>>
    tpu.enqueue_indirect_dma source(%dma_start3A_41 : memref<1000000x128xf32, #tpu.memory_space<hbm>>) target(%arg13 : memref<80x128xf32, #tpu.memory_space<vmem>>) offsets(%dma_start3A_38 : memref<80xi32, #tpu.memory_space<vmem>>) semaphore(%arg23 : memref<!tpu.dma_semaphore, #tpu.memory_space<semaphore_mem>>)
    %dma_start3A_42 = arith.constant 640 : i32
    %dma_start3A_43 = tpu.memref_slice %arg5[%dma_start3A_42] : memref<6400xi32, #tpu.memory_space<vmem>> -> memref<80xi32, #tpu.memory_space<vmem>>
    %dma_start3A_44 = arith.constant 0 : i32
    %dma_start3A_45 = arith.constant 0 : i32
    %dma_start3A_46 = tpu.memref_slice %arg2[%dma_start3A_44, %dma_start3A_45] : memref<1000000x128xf32, #tpu.memory_space<hbm>> -> memref<1000000x128xf32, #tpu.memory_space<hbm>>
    tpu.enqueue_indirect_dma source(%dma_start3A_46 : memref<1000000x128xf32, #tpu.memory_space<hbm>>) target(%arg14 : memref<80x128xf32, #tpu.memory_space<vmem>>) offsets(%dma_start3A_43 : memref<80xi32, #tpu.memory_space<vmem>>) semaphore(%arg24 : memref<!tpu.dma_semaphore, #tpu.memory_space<semaphore_mem>>)
    %dma_start3A_47 = arith.constant 720 : i32
    %dma_start3A_48 = tpu.memref_slice %arg5[%dma_start3A_47] : memref<6400xi32, #tpu.memory_space<vmem>> -> memref<80xi32, #tpu.memory_space<vmem>>
    %dma_start3A_49 = arith.constant 0 : i32
    %dma_start3A_50 = arith.constant 0 : i32
    %dma_start3A_51 = tpu.memref_slice %arg2[%dma_start3A_49, %dma_start3A_50] : memref<1000000x128xf32, #tpu.memory_space<hbm>> -> memref<1000000x128xf32, #tpu.memory_space<hbm>>
    tpu.enqueue_indirect_dma source(%dma_start3A_51 : memref<1000000x128xf32, #tpu.memory_space<hbm>>) target(%arg15 : memref<80x128xf32, #tpu.memory_space<vmem>>) offsets(%dma_start3A_48 : memref<80xi32, #tpu.memory_space<vmem>>) semaphore(%arg25 : memref<!tpu.dma_semaphore, #tpu.memory_space<semaphore_mem>>)
    %scan3A = arith.constant 0 : i32
    %scan3A_52 = arith.constant 0 : i32
    %scan3A_53 = arith.constant 8 : i32
    %scan3A_54 = arith.addi %scan3A_52, %scan3A_53 : i32
    %scan3A_55 = arith.constant 1 : i32
    %scan3A_56 = scf.for %scan3A_97 = %scan3A_52 to %scan3A_54 step %scan3A_55 iter_args(%scan3A_98 = %scan3A) -> (i32)  : i32 {
      %mul3A_99 = arith.constant 10 : i32
      %mul3A_100 = arith.muli %scan3A_97, %mul3A_99 : i32
      %dma_wait3A_101 = arith.constant 0 : i32
      %dma_wait3A_102 = tpu.memref_slice %arg5[%dma_wait3A_101] : memref<6400xi32, #tpu.memory_space<vmem>> -> memref<80xi32, #tpu.memory_space<vmem>>
      %dma_wait3A_103 = arith.constant 0 : i32
      %dma_wait3A_104 = arith.constant 0 : i32
      %dma_wait3A_105 = tpu.memref_slice %arg2[%dma_wait3A_103, %dma_wait3A_104] : memref<1000000x128xf32, #tpu.memory_space<hbm>> -> memref<1000000x128xf32, #tpu.memory_space<hbm>>
      tpu.wait_indirect_dma semaphore(%arg16 : memref<!tpu.dma_semaphore, #tpu.memory_space<semaphore_mem>>) src(%dma_wait3A_105 : memref<1000000x128xf32, #tpu.memory_space<hbm>>) dst(%arg6 : memref<80x128xf32, #tpu.memory_space<vmem>>)
      %add3A_106 = arith.constant 0 : i32
      %add3A_107 = arith.addi %mul3A_100, %add3A_106 : i32
      %mul3A_108 = arith.constant 80 : i32
      %mul3A_109 = arith.muli %add3A_107, %mul3A_108 : i32
      %add3A_110 = arith.addi %mul3A_2, %mul3A_109 : i32
      %dma_start3A_111 = arith.constant 0 : i32
      %dma_start3A_112 = tpu.memref_slice %arg4[%add3A_110, %dma_start3A_111] : memref<204800x128xf32, #tpu.memory_space<hbm>> -> memref<80x128xf32, #tpu.memory_space<hbm>>
      %dma_start3A_113 = arith.constant 0 : i32
      %dma_start3A_114 = tpu.memref_slice %arg4[%add3A_110, %dma_start3A_113] : memref<204800x128xf32, #tpu.memory_space<hbm>> -> memref<80x128xf32, #tpu.memory_space<hbm>>
      tpu.enqueue_dma source(%arg6 : memref<80x128xf32, #tpu.memory_space<vmem>>) target(%dma_start3A_114 : memref<80x128xf32, #tpu.memory_space<hbm>>) target_semaphore(%arg26 : memref<!tpu.dma_semaphore, #tpu.memory_space<semaphore_mem>>)
      %dma_wait3A_115 = arith.constant 0 : i32
      %dma_wait3A_116 = tpu.memref_slice %arg5[%dma_wait3A_115] : memref<6400xi32, #tpu.memory_space<vmem>> -> memref<80xi32, #tpu.memory_space<vmem>>
      %dma_wait3A_117 = arith.constant 0 : i32
      %dma_wait3A_118 = arith.constant 0 : i32
      %dma_wait3A_119 = tpu.memref_slice %arg2[%dma_wait3A_117, %dma_wait3A_118] : memref<1000000x128xf32, #tpu.memory_space<hbm>> -> memref<1000000x128xf32, #tpu.memory_space<hbm>>
      tpu.wait_indirect_dma semaphore(%arg17 : memref<!tpu.dma_semaphore, #tpu.memory_space<semaphore_mem>>) src(%dma_wait3A_119 : memref<1000000x128xf32, #tpu.memory_space<hbm>>) dst(%arg7 : memref<80x128xf32, #tpu.memory_space<vmem>>)
      %add3A_120 = arith.constant 1 : i32
      %add3A_121 = arith.addi %mul3A_100, %add3A_120 : i32
      %mul3A_122 = arith.constant 80 : i32
      %mul3A_123 = arith.muli %add3A_121, %mul3A_122 : i32
      %add3A_124 = arith.addi %mul3A_2, %mul3A_123 : i32
      %dma_start3A_125 = arith.constant 0 : i32
      %dma_start3A_126 = tpu.memref_slice %arg4[%add3A_124, %dma_start3A_125] : memref<204800x128xf32, #tpu.memory_space<hbm>> -> memref<80x128xf32, #tpu.memory_space<hbm>>
      %dma_start3A_127 = arith.constant 0 : i32
      %dma_start3A_128 = tpu.memref_slice %arg4[%add3A_124, %dma_start3A_127] : memref<204800x128xf32, #tpu.memory_space<hbm>> -> memref<80x128xf32, #tpu.memory_space<hbm>>
      tpu.enqueue_dma source(%arg7 : memref<80x128xf32, #tpu.memory_space<vmem>>) target(%dma_start3A_128 : memref<80x128xf32, #tpu.memory_space<hbm>>) target_semaphore(%arg27 : memref<!tpu.dma_semaphore, #tpu.memory_space<semaphore_mem>>)
      %lt3A = arith.constant 7 : i32
      %lt3A_129 = arith.cmpi slt, %scan3A_97, %lt3A : i32
      %convert_element_type3A = arith.extui %lt3A_129 : i1 to i32
      %cond3A = arith.constant 0 : i32
      %cond3A_130 = arith.cmpi ne, %convert_element_type3A, %cond3A : i32
      scf.if %cond3A_130 {
        %dma_wait3A_289 = arith.constant 0 : i32
        %dma_wait3A_290 = tpu.memref_slice %arg4[%mul3A_2, %dma_wait3A_289] : memref<204800x128xf32, #tpu.memory_space<hbm>> -> memref<80x128xf32, #tpu.memory_space<hbm>>
        %dma_wait3A_291 = arith.constant 0 : i32
        %dma_wait3A_292 = tpu.memref_slice %arg4[%mul3A_2, %dma_wait3A_291] : memref<204800x128xf32, #tpu.memory_space<hbm>> -> memref<80x128xf32, #tpu.memory_space<hbm>>
        tpu.wait_dma2 semaphore(%arg26 : memref<!tpu.dma_semaphore, #tpu.memory_space<semaphore_mem>>) src(%arg6 : memref<80x128xf32, #tpu.memory_space<vmem>>) dst(%dma_wait3A_292 : memref<80x128xf32, #tpu.memory_space<hbm>>)
        %add3A_293 = arith.constant 10 : i32
        %add3A_294 = arith.addi %mul3A_100, %add3A_293 : i32
        %add3A_295 = arith.constant 0 : i32
        %add3A_296 = arith.addi %add3A_294, %add3A_295 : i32
        %mul3A_297 = arith.constant 80 : i32
        %mul3A_298 = arith.muli %add3A_296, %mul3A_297 : i32
        %dma_start3A_299 = tpu.memref_slice %arg5[%mul3A_298] : memref<6400xi32, #tpu.memory_space<vmem>> -> memref<80xi32, #tpu.memory_space<vmem>>
        %dma_start3A_300 = arith.constant 0 : i32
        %dma_start3A_301 = arith.constant 0 : i32
        %dma_start3A_302 = tpu.memref_slice %arg2[%dma_start3A_300, %dma_start3A_301] : memref<1000000x128xf32, #tpu.memory_space<hbm>> -> memref<1000000x128xf32, #tpu.memory_space<hbm>>
        tpu.enqueue_indirect_dma source(%dma_start3A_302 : memref<1000000x128xf32, #tpu.memory_space<hbm>>) target(%arg6 : memref<80x128xf32, #tpu.memory_space<vmem>>) offsets(%dma_start3A_299 : memref<80xi32, #tpu.memory_space<vmem>>) semaphore(%arg16 : memref<!tpu.dma_semaphore, #tpu.memory_space<semaphore_mem>>)
      } else {
      }
      %dma_wait3A_131 = arith.constant 0 : i32
      %dma_wait3A_132 = tpu.memref_slice %arg5[%dma_wait3A_131] : memref<6400xi32, #tpu.memory_space<vmem>> -> memref<80xi32, #tpu.memory_space<vmem>>
      %dma_wait3A_133 = arith.constant 0 : i32
      %dma_wait3A_134 = arith.constant 0 : i32
      %dma_wait3A_135 = tpu.memref_slice %arg2[%dma_wait3A_133, %dma_wait3A_134] : memref<1000000x128xf32, #tpu.memory_space<hbm>> -> memref<1000000x128xf32, #tpu.memory_space<hbm>>
      tpu.wait_indirect_dma semaphore(%arg18 : memref<!tpu.dma_semaphore, #tpu.memory_space<semaphore_mem>>) src(%dma_wait3A_135 : memref<1000000x128xf32, #tpu.memory_space<hbm>>) dst(%arg8 : memref<80x128xf32, #tpu.memory_space<vmem>>)
      %add3A_136 = arith.constant 2 : i32
      %add3A_137 = arith.addi %mul3A_100, %add3A_136 : i32
      %mul3A_138 = arith.constant 80 : i32
      %mul3A_139 = arith.muli %add3A_137, %mul3A_138 : i32
      %add3A_140 = arith.addi %mul3A_2, %mul3A_139 : i32
      %dma_start3A_141 = arith.constant 0 : i32
      %dma_start3A_142 = tpu.memref_slice %arg4[%add3A_140, %dma_start3A_141] : memref<204800x128xf32, #tpu.memory_space<hbm>> -> memref<80x128xf32, #tpu.memory_space<hbm>>
      %dma_start3A_143 = arith.constant 0 : i32
      %dma_start3A_144 = tpu.memref_slice %arg4[%add3A_140, %dma_start3A_143] : memref<204800x128xf32, #tpu.memory_space<hbm>> -> memref<80x128xf32, #tpu.memory_space<hbm>>
      tpu.enqueue_dma source(%arg8 : memref<80x128xf32, #tpu.memory_space<vmem>>) target(%dma_start3A_144 : memref<80x128xf32, #tpu.memory_space<hbm>>) target_semaphore(%arg28 : memref<!tpu.dma_semaphore, #tpu.memory_space<semaphore_mem>>)
      %lt3A_145 = arith.constant 7 : i32
      %lt3A_146 = arith.cmpi slt, %scan3A_97, %lt3A_145 : i32
      %convert_element_type3A_147 = arith.extui %lt3A_146 : i1 to i32
      %cond3A_148 = arith.constant 0 : i32
      %cond3A_149 = arith.cmpi ne, %convert_element_type3A_147, %cond3A_148 : i32
      scf.if %cond3A_149 {
        %dma_wait3A_289 = arith.constant 0 : i32
        %dma_wait3A_290 = tpu.memref_slice %arg4[%mul3A_2, %dma_wait3A_289] : memref<204800x128xf32, #tpu.memory_space<hbm>> -> memref<80x128xf32, #tpu.memory_space<hbm>>
        %dma_wait3A_291 = arith.constant 0 : i32
        %dma_wait3A_292 = tpu.memref_slice %arg4[%mul3A_2, %dma_wait3A_291] : memref<204800x128xf32, #tpu.memory_space<hbm>> -> memref<80x128xf32, #tpu.memory_space<hbm>>
        tpu.wait_dma2 semaphore(%arg27 : memref<!tpu.dma_semaphore, #tpu.memory_space<semaphore_mem>>) src(%arg7 : memref<80x128xf32, #tpu.memory_space<vmem>>) dst(%dma_wait3A_292 : memref<80x128xf32, #tpu.memory_space<hbm>>)
        %add3A_293 = arith.constant 10 : i32
        %add3A_294 = arith.addi %mul3A_100, %add3A_293 : i32
        %add3A_295 = arith.constant 1 : i32
        %add3A_296 = arith.addi %add3A_294, %add3A_295 : i32
        %mul3A_297 = arith.constant 80 : i32
        %mul3A_298 = arith.muli %add3A_296, %mul3A_297 : i32
        %dma_start3A_299 = tpu.memref_slice %arg5[%mul3A_298] : memref<6400xi32, #tpu.memory_space<vmem>> -> memref<80xi32, #tpu.memory_space<vmem>>
        %dma_start3A_300 = arith.constant 0 : i32
        %dma_start3A_301 = arith.constant 0 : i32
        %dma_start3A_302 = tpu.memref_slice %arg2[%dma_start3A_300, %dma_start3A_301] : memref<1000000x128xf32, #tpu.memory_space<hbm>> -> memref<1000000x128xf32, #tpu.memory_space<hbm>>
        tpu.enqueue_indirect_dma source(%dma_start3A_302 : memref<1000000x128xf32, #tpu.memory_space<hbm>>) target(%arg7 : memref<80x128xf32, #tpu.memory_space<vmem>>) offsets(%dma_start3A_299 : memref<80xi32, #tpu.memory_space<vmem>>) semaphore(%arg17 : memref<!tpu.dma_semaphore, #tpu.memory_space<semaphore_mem>>)
      } else {
      }
      %dma_wait3A_150 = arith.constant 0 : i32
      %dma_wait3A_151 = tpu.memref_slice %arg5[%dma_wait3A_150] : memref<6400xi32, #tpu.memory_space<vmem>> -> memref<80xi32, #tpu.memory_space<vmem>>
      %dma_wait3A_152 = arith.constant 0 : i32
      %dma_wait3A_153 = arith.constant 0 : i32
      %dma_wait3A_154 = tpu.memref_slice %arg2[%dma_wait3A_152, %dma_wait3A_153] : memref<1000000x128xf32, #tpu.memory_space<hbm>> -> memref<1000000x128xf32, #tpu.memory_space<hbm>>
      tpu.wait_indirect_dma semaphore(%arg19 : memref<!tpu.dma_semaphore, #tpu.memory_space<semaphore_mem>>) src(%dma_wait3A_154 : memref<1000000x128xf32, #tpu.memory_space<hbm>>) dst(%arg9 : memref<80x128xf32, #tpu.memory_space<vmem>>)
      %add3A_155 = arith.constant 3 : i32
      %add3A_156 = arith.addi %mul3A_100, %add3A_155 : i32
      %mul3A_157 = arith.constant 80 : i32
      %mul3A_158 = arith.muli %add3A_156, %mul3A_157 : i32
      %add3A_159 = arith.addi %mul3A_2, %mul3A_158 : i32
      %dma_start3A_160 = arith.constant 0 : i32
      %dma_start3A_161 = tpu.memref_slice %arg4[%add3A_159, %dma_start3A_160] : memref<204800x128xf32, #tpu.memory_space<hbm>> -> memref<80x128xf32, #tpu.memory_space<hbm>>
      %dma_start3A_162 = arith.constant 0 : i32
      %dma_start3A_163 = tpu.memref_slice %arg4[%add3A_159, %dma_start3A_162] : memref<204800x128xf32, #tpu.memory_space<hbm>> -> memref<80x128xf32, #tpu.memory_space<hbm>>
      tpu.enqueue_dma source(%arg9 : memref<80x128xf32, #tpu.memory_space<vmem>>) target(%dma_start3A_163 : memref<80x128xf32, #tpu.memory_space<hbm>>) target_semaphore(%arg29 : memref<!tpu.dma_semaphore, #tpu.memory_space<semaphore_mem>>)
      %lt3A_164 = arith.constant 7 : i32
      %lt3A_165 = arith.cmpi slt, %scan3A_97, %lt3A_164 : i32
      %convert_element_type3A_166 = arith.extui %lt3A_165 : i1 to i32
      %cond3A_167 = arith.constant 0 : i32
      %cond3A_168 = arith.cmpi ne, %convert_element_type3A_166, %cond3A_167 : i32
      scf.if %cond3A_168 {
        %dma_wait3A_289 = arith.constant 0 : i32
        %dma_wait3A_290 = tpu.memref_slice %arg4[%mul3A_2, %dma_wait3A_289] : memref<204800x128xf32, #tpu.memory_space<hbm>> -> memref<80x128xf32, #tpu.memory_space<hbm>>
        %dma_wait3A_291 = arith.constant 0 : i32
        %dma_wait3A_292 = tpu.memref_slice %arg4[%mul3A_2, %dma_wait3A_291] : memref<204800x128xf32, #tpu.memory_space<hbm>> -> memref<80x128xf32, #tpu.memory_space<hbm>>
        tpu.wait_dma2 semaphore(%arg28 : memref<!tpu.dma_semaphore, #tpu.memory_space<semaphore_mem>>) src(%arg8 : memref<80x128xf32, #tpu.memory_space<vmem>>) dst(%dma_wait3A_292 : memref<80x128xf32, #tpu.memory_space<hbm>>)
        %add3A_293 = arith.constant 10 : i32
        %add3A_294 = arith.addi %mul3A_100, %add3A_293 : i32
        %add3A_295 = arith.constant 2 : i32
        %add3A_296 = arith.addi %add3A_294, %add3A_295 : i32
        %mul3A_297 = arith.constant 80 : i32
        %mul3A_298 = arith.muli %add3A_296, %mul3A_297 : i32
        %dma_start3A_299 = tpu.memref_slice %arg5[%mul3A_298] : memref<6400xi32, #tpu.memory_space<vmem>> -> memref<80xi32, #tpu.memory_space<vmem>>
        %dma_start3A_300 = arith.constant 0 : i32
        %dma_start3A_301 = arith.constant 0 : i32
        %dma_start3A_302 = tpu.memref_slice %arg2[%dma_start3A_300, %dma_start3A_301] : memref<1000000x128xf32, #tpu.memory_space<hbm>> -> memref<1000000x128xf32, #tpu.memory_space<hbm>>
        tpu.enqueue_indirect_dma source(%dma_start3A_302 : memref<1000000x128xf32, #tpu.memory_space<hbm>>) target(%arg8 : memref<80x128xf32, #tpu.memory_space<vmem>>) offsets(%dma_start3A_299 : memref<80xi32, #tpu.memory_space<vmem>>) semaphore(%arg18 : memref<!tpu.dma_semaphore, #tpu.memory_space<semaphore_mem>>)
      } else {
      }
      %dma_wait3A_169 = arith.constant 0 : i32
      %dma_wait3A_170 = tpu.memref_slice %arg5[%dma_wait3A_169] : memref<6400xi32, #tpu.memory_space<vmem>> -> memref<80xi32, #tpu.memory_space<vmem>>
      %dma_wait3A_171 = arith.constant 0 : i32
      %dma_wait3A_172 = arith.constant 0 : i32
      %dma_wait3A_173 = tpu.memref_slice %arg2[%dma_wait3A_171, %dma_wait3A_172] : memref<1000000x128xf32, #tpu.memory_space<hbm>> -> memref<1000000x128xf32, #tpu.memory_space<hbm>>
      tpu.wait_indirect_dma semaphore(%arg20 : memref<!tpu.dma_semaphore, #tpu.memory_space<semaphore_mem>>) src(%dma_wait3A_173 : memref<1000000x128xf32, #tpu.memory_space<hbm>>) dst(%arg10 : memref<80x128xf32, #tpu.memory_space<vmem>>)
      %add3A_174 = arith.constant 4 : i32
      %add3A_175 = arith.addi %mul3A_100, %add3A_174 : i32
      %mul3A_176 = arith.constant 80 : i32
      %mul3A_177 = arith.muli %add3A_175, %mul3A_176 : i32
      %add3A_178 = arith.addi %mul3A_2, %mul3A_177 : i32
      %dma_start3A_179 = arith.constant 0 : i32
      %dma_start3A_180 = tpu.memref_slice %arg4[%add3A_178, %dma_start3A_179] : memref<204800x128xf32, #tpu.memory_space<hbm>> -> memref<80x128xf32, #tpu.memory_space<hbm>>
      %dma_start3A_181 = arith.constant 0 : i32
      %dma_start3A_182 = tpu.memref_slice %arg4[%add3A_178, %dma_start3A_181] : memref<204800x128xf32, #tpu.memory_space<hbm>> -> memref<80x128xf32, #tpu.memory_space<hbm>>
      tpu.enqueue_dma source(%arg10 : memref<80x128xf32, #tpu.memory_space<vmem>>) target(%dma_start3A_182 : memref<80x128xf32, #tpu.memory_space<hbm>>) target_semaphore(%arg30 : memref<!tpu.dma_semaphore, #tpu.memory_space<semaphore_mem>>)
      %lt3A_183 = arith.constant 7 : i32
      %lt3A_184 = arith.cmpi slt, %scan3A_97, %lt3A_183 : i32
      %convert_element_type3A_185 = arith.extui %lt3A_184 : i1 to i32
      %cond3A_186 = arith.constant 0 : i32
      %cond3A_187 = arith.cmpi ne, %convert_element_type3A_185, %cond3A_186 : i32
      scf.if %cond3A_187 {
        %dma_wait3A_289 = arith.constant 0 : i32
        %dma_wait3A_290 = tpu.memref_slice %arg4[%mul3A_2, %dma_wait3A_289] : memref<204800x128xf32, #tpu.memory_space<hbm>> -> memref<80x128xf32, #tpu.memory_space<hbm>>
        %dma_wait3A_291 = arith.constant 0 : i32
        %dma_wait3A_292 = tpu.memref_slice %arg4[%mul3A_2, %dma_wait3A_291] : memref<204800x128xf32, #tpu.memory_space<hbm>> -> memref<80x128xf32, #tpu.memory_space<hbm>>
        tpu.wait_dma2 semaphore(%arg29 : memref<!tpu.dma_semaphore, #tpu.memory_space<semaphore_mem>>) src(%arg9 : memref<80x128xf32, #tpu.memory_space<vmem>>) dst(%dma_wait3A_292 : memref<80x128xf32, #tpu.memory_space<hbm>>)
        %add3A_293 = arith.constant 10 : i32
        %add3A_294 = arith.addi %mul3A_100, %add3A_293 : i32
        %add3A_295 = arith.constant 3 : i32
        %add3A_296 = arith.addi %add3A_294, %add3A_295 : i32
        %mul3A_297 = arith.constant 80 : i32
        %mul3A_298 = arith.muli %add3A_296, %mul3A_297 : i32
        %dma_start3A_299 = tpu.memref_slice %arg5[%mul3A_298] : memref<6400xi32, #tpu.memory_space<vmem>> -> memref<80xi32, #tpu.memory_space<vmem>>
        %dma_start3A_300 = arith.constant 0 : i32
        %dma_start3A_301 = arith.constant 0 : i32
        %dma_start3A_302 = tpu.memref_slice %arg2[%dma_start3A_300, %dma_start3A_301] : memref<1000000x128xf32, #tpu.memory_space<hbm>> -> memref<1000000x128xf32, #tpu.memory_space<hbm>>
        tpu.enqueue_indirect_dma source(%dma_start3A_302 : memref<1000000x128xf32, #tpu.memory_space<hbm>>) target(%arg9 : memref<80x128xf32, #tpu.memory_space<vmem>>) offsets(%dma_start3A_299 : memref<80xi32, #tpu.memory_space<vmem>>) semaphore(%arg19 : memref<!tpu.dma_semaphore, #tpu.memory_space<semaphore_mem>>)
      } else {
      }
      %dma_wait3A_188 = arith.constant 0 : i32
      %dma_wait3A_189 = tpu.memref_slice %arg5[%dma_wait3A_188] : memref<6400xi32, #tpu.memory_space<vmem>> -> memref<80xi32, #tpu.memory_space<vmem>>
      %dma_wait3A_190 = arith.constant 0 : i32
      %dma_wait3A_191 = arith.constant 0 : i32
      %dma_wait3A_192 = tpu.memref_slice %arg2[%dma_wait3A_190, %dma_wait3A_191] : memref<1000000x128xf32, #tpu.memory_space<hbm>> -> memref<1000000x128xf32, #tpu.memory_space<hbm>>
      tpu.wait_indirect_dma semaphore(%arg21 : memref<!tpu.dma_semaphore, #tpu.memory_space<semaphore_mem>>) src(%dma_wait3A_192 : memref<1000000x128xf32, #tpu.memory_space<hbm>>) dst(%arg11 : memref<80x128xf32, #tpu.memory_space<vmem>>)
      %add3A_193 = arith.constant 5 : i32
      %add3A_194 = arith.addi %mul3A_100, %add3A_193 : i32
      %mul3A_195 = arith.constant 80 : i32
      %mul3A_196 = arith.muli %add3A_194, %mul3A_195 : i32
      %add3A_197 = arith.addi %mul3A_2, %mul3A_196 : i32
      %dma_start3A_198 = arith.constant 0 : i32
      %dma_start3A_199 = tpu.memref_slice %arg4[%add3A_197, %dma_start3A_198] : memref<204800x128xf32, #tpu.memory_space<hbm>> -> memref<80x128xf32, #tpu.memory_space<hbm>>
      %dma_start3A_200 = arith.constant 0 : i32
      %dma_start3A_201 = tpu.memref_slice %arg4[%add3A_197, %dma_start3A_200] : memref<204800x128xf32, #tpu.memory_space<hbm>> -> memref<80x128xf32, #tpu.memory_space<hbm>>
      tpu.enqueue_dma source(%arg11 : memref<80x128xf32, #tpu.memory_space<vmem>>) target(%dma_start3A_201 : memref<80x128xf32, #tpu.memory_space<hbm>>) target_semaphore(%arg31 : memref<!tpu.dma_semaphore, #tpu.memory_space<semaphore_mem>>)
      %lt3A_202 = arith.constant 7 : i32
      %lt3A_203 = arith.cmpi slt, %scan3A_97, %lt3A_202 : i32
      %convert_element_type3A_204 = arith.extui %lt3A_203 : i1 to i32
      %cond3A_205 = arith.constant 0 : i32
      %cond3A_206 = arith.cmpi ne, %convert_element_type3A_204, %cond3A_205 : i32
      scf.if %cond3A_206 {
        %dma_wait3A_289 = arith.constant 0 : i32
        %dma_wait3A_290 = tpu.memref_slice %arg4[%mul3A_2, %dma_wait3A_289] : memref<204800x128xf32, #tpu.memory_space<hbm>> -> memref<80x128xf32, #tpu.memory_space<hbm>>
        %dma_wait3A_291 = arith.constant 0 : i32
        %dma_wait3A_292 = tpu.memref_slice %arg4[%mul3A_2, %dma_wait3A_291] : memref<204800x128xf32, #tpu.memory_space<hbm>> -> memref<80x128xf32, #tpu.memory_space<hbm>>
        tpu.wait_dma2 semaphore(%arg30 : memref<!tpu.dma_semaphore, #tpu.memory_space<semaphore_mem>>) src(%arg10 : memref<80x128xf32, #tpu.memory_space<vmem>>) dst(%dma_wait3A_292 : memref<80x128xf32, #tpu.memory_space<hbm>>)
        %add3A_293 = arith.constant 10 : i32
        %add3A_294 = arith.addi %mul3A_100, %add3A_293 : i32
        %add3A_295 = arith.constant 4 : i32
        %add3A_296 = arith.addi %add3A_294, %add3A_295 : i32
        %mul3A_297 = arith.constant 80 : i32
        %mul3A_298 = arith.muli %add3A_296, %mul3A_297 : i32
        %dma_start3A_299 = tpu.memref_slice %arg5[%mul3A_298] : memref<6400xi32, #tpu.memory_space<vmem>> -> memref<80xi32, #tpu.memory_space<vmem>>
        %dma_start3A_300 = arith.constant 0 : i32
        %dma_start3A_301 = arith.constant 0 : i32
        %dma_start3A_302 = tpu.memref_slice %arg2[%dma_start3A_300, %dma_start3A_301] : memref<1000000x128xf32, #tpu.memory_space<hbm>> -> memref<1000000x128xf32, #tpu.memory_space<hbm>>
        tpu.enqueue_indirect_dma source(%dma_start3A_302 : memref<1000000x128xf32, #tpu.memory_space<hbm>>) target(%arg10 : memref<80x128xf32, #tpu.memory_space<vmem>>) offsets(%dma_start3A_299 : memref<80xi32, #tpu.memory_space<vmem>>) semaphore(%arg20 : memref<!tpu.dma_semaphore, #tpu.memory_space<semaphore_mem>>)
      } else {
      }
      %dma_wait3A_207 = arith.constant 0 : i32
      %dma_wait3A_208 = tpu.memref_slice %arg5[%dma_wait3A_207] : memref<6400xi32, #tpu.memory_space<vmem>> -> memref<80xi32, #tpu.memory_space<vmem>>
      %dma_wait3A_209 = arith.constant 0 : i32
      %dma_wait3A_210 = arith.constant 0 : i32
      %dma_wait3A_211 = tpu.memref_slice %arg2[%dma_wait3A_209, %dma_wait3A_210] : memref<1000000x128xf32, #tpu.memory_space<hbm>> -> memref<1000000x128xf32, #tpu.memory_space<hbm>>
      tpu.wait_indirect_dma semaphore(%arg22 : memref<!tpu.dma_semaphore, #tpu.memory_space<semaphore_mem>>) src(%dma_wait3A_211 : memref<1000000x128xf32, #tpu.memory_space<hbm>>) dst(%arg12 : memref<80x128xf32, #tpu.memory_space<vmem>>)
      %add3A_212 = arith.constant 6 : i32
      %add3A_213 = arith.addi %mul3A_100, %add3A_212 : i32
      %mul3A_214 = arith.constant 80 : i32
      %mul3A_215 = arith.muli %add3A_213, %mul3A_214 : i32
      %add3A_216 = arith.addi %mul3A_2, %mul3A_215 : i32
      %dma_start3A_217 = arith.constant 0 : i32
      %dma_start3A_218 = tpu.memref_slice %arg4[%add3A_216, %dma_start3A_217] : memref<204800x128xf32, #tpu.memory_space<hbm>> -> memref<80x128xf32, #tpu.memory_space<hbm>>
      %dma_start3A_219 = arith.constant 0 : i32
      %dma_start3A_220 = tpu.memref_slice %arg4[%add3A_216, %dma_start3A_219] : memref<204800x128xf32, #tpu.memory_space<hbm>> -> memref<80x128xf32, #tpu.memory_space<hbm>>
      tpu.enqueue_dma source(%arg12 : memref<80x128xf32, #tpu.memory_space<vmem>>) target(%dma_start3A_220 : memref<80x128xf32, #tpu.memory_space<hbm>>) target_semaphore(%arg32 : memref<!tpu.dma_semaphore, #tpu.memory_space<semaphore_mem>>)
      %lt3A_221 = arith.constant 7 : i32
      %lt3A_222 = arith.cmpi slt, %scan3A_97, %lt3A_221 : i32
      %convert_element_type3A_223 = arith.extui %lt3A_222 : i1 to i32
      %cond3A_224 = arith.constant 0 : i32
      %cond3A_225 = arith.cmpi ne, %convert_element_type3A_223, %cond3A_224 : i32
      scf.if %cond3A_225 {
        %dma_wait3A_289 = arith.constant 0 : i32
        %dma_wait3A_290 = tpu.memref_slice %arg4[%mul3A_2, %dma_wait3A_289] : memref<204800x128xf32, #tpu.memory_space<hbm>> -> memref<80x128xf32, #tpu.memory_space<hbm>>
        %dma_wait3A_291 = arith.constant 0 : i32
        %dma_wait3A_292 = tpu.memref_slice %arg4[%mul3A_2, %dma_wait3A_291] : memref<204800x128xf32, #tpu.memory_space<hbm>> -> memref<80x128xf32, #tpu.memory_space<hbm>>
        tpu.wait_dma2 semaphore(%arg31 : memref<!tpu.dma_semaphore, #tpu.memory_space<semaphore_mem>>) src(%arg11 : memref<80x128xf32, #tpu.memory_space<vmem>>) dst(%dma_wait3A_292 : memref<80x128xf32, #tpu.memory_space<hbm>>)
        %add3A_293 = arith.constant 10 : i32
        %add3A_294 = arith.addi %mul3A_100, %add3A_293 : i32
        %add3A_295 = arith.constant 5 : i32
        %add3A_296 = arith.addi %add3A_294, %add3A_295 : i32
        %mul3A_297 = arith.constant 80 : i32
        %mul3A_298 = arith.muli %add3A_296, %mul3A_297 : i32
        %dma_start3A_299 = tpu.memref_slice %arg5[%mul3A_298] : memref<6400xi32, #tpu.memory_space<vmem>> -> memref<80xi32, #tpu.memory_space<vmem>>
        %dma_start3A_300 = arith.constant 0 : i32
        %dma_start3A_301 = arith.constant 0 : i32
        %dma_start3A_302 = tpu.memref_slice %arg2[%dma_start3A_300, %dma_start3A_301] : memref<1000000x128xf32, #tpu.memory_space<hbm>> -> memref<1000000x128xf32, #tpu.memory_space<hbm>>
        tpu.enqueue_indirect_dma source(%dma_start3A_302 : memref<1000000x128xf32, #tpu.memory_space<hbm>>) target(%arg11 : memref<80x128xf32, #tpu.memory_space<vmem>>) offsets(%dma_start3A_299 : memref<80xi32, #tpu.memory_space<vmem>>) semaphore(%arg21 : memref<!tpu.dma_semaphore, #tpu.memory_space<semaphore_mem>>)
      } else {
      }
      %dma_wait3A_226 = arith.constant 0 : i32
      %dma_wait3A_227 = tpu.memref_slice %arg5[%dma_wait3A_226] : memref<6400xi32, #tpu.memory_space<vmem>> -> memref<80xi32, #tpu.memory_space<vmem>>
      %dma_wait3A_228 = arith.constant 0 : i32
      %dma_wait3A_229 = arith.constant 0 : i32
      %dma_wait3A_230 = tpu.memref_slice %arg2[%dma_wait3A_228, %dma_wait3A_229] : memref<1000000x128xf32, #tpu.memory_space<hbm>> -> memref<1000000x128xf32, #tpu.memory_space<hbm>>
      tpu.wait_indirect_dma semaphore(%arg23 : memref<!tpu.dma_semaphore, #tpu.memory_space<semaphore_mem>>) src(%dma_wait3A_230 : memref<1000000x128xf32, #tpu.memory_space<hbm>>) dst(%arg13 : memref<80x128xf32, #tpu.memory_space<vmem>>)
      %add3A_231 = arith.constant 7 : i32
      %add3A_232 = arith.addi %mul3A_100, %add3A_231 : i32
      %mul3A_233 = arith.constant 80 : i32
      %mul3A_234 = arith.muli %add3A_232, %mul3A_233 : i32
      %add3A_235 = arith.addi %mul3A_2, %mul3A_234 : i32
      %dma_start3A_236 = arith.constant 0 : i32
      %dma_start3A_237 = tpu.memref_slice %arg4[%add3A_235, %dma_start3A_236] : memref<204800x128xf32, #tpu.memory_space<hbm>> -> memref<80x128xf32, #tpu.memory_space<hbm>>
      %dma_start3A_238 = arith.constant 0 : i32
      %dma_start3A_239 = tpu.memref_slice %arg4[%add3A_235, %dma_start3A_238] : memref<204800x128xf32, #tpu.memory_space<hbm>> -> memref<80x128xf32, #tpu.memory_space<hbm>>
      tpu.enqueue_dma source(%arg13 : memref<80x128xf32, #tpu.memory_space<vmem>>) target(%dma_start3A_239 : memref<80x128xf32, #tpu.memory_space<hbm>>) target_semaphore(%arg33 : memref<!tpu.dma_semaphore, #tpu.memory_space<semaphore_mem>>)
      %lt3A_240 = arith.constant 7 : i32
      %lt3A_241 = arith.cmpi slt, %scan3A_97, %lt3A_240 : i32
      %convert_element_type3A_242 = arith.extui %lt3A_241 : i1 to i32
      %cond3A_243 = arith.constant 0 : i32
      %cond3A_244 = arith.cmpi ne, %convert_element_type3A_242, %cond3A_243 : i32
      scf.if %cond3A_244 {
        %dma_wait3A_289 = arith.constant 0 : i32
        %dma_wait3A_290 = tpu.memref_slice %arg4[%mul3A_2, %dma_wait3A_289] : memref<204800x128xf32, #tpu.memory_space<hbm>> -> memref<80x128xf32, #tpu.memory_space<hbm>>
        %dma_wait3A_291 = arith.constant 0 : i32
        %dma_wait3A_292 = tpu.memref_slice %arg4[%mul3A_2, %dma_wait3A_291] : memref<204800x128xf32, #tpu.memory_space<hbm>> -> memref<80x128xf32, #tpu.memory_space<hbm>>
        tpu.wait_dma2 semaphore(%arg32 : memref<!tpu.dma_semaphore, #tpu.memory_space<semaphore_mem>>) src(%arg12 : memref<80x128xf32, #tpu.memory_space<vmem>>) dst(%dma_wait3A_292 : memref<80x128xf32, #tpu.memory_space<hbm>>)
        %add3A_293 = arith.constant 10 : i32
        %add3A_294 = arith.addi %mul3A_100, %add3A_293 : i32
        %add3A_295 = arith.constant 6 : i32
        %add3A_296 = arith.addi %add3A_294, %add3A_295 : i32
        %mul3A_297 = arith.constant 80 : i32
        %mul3A_298 = arith.muli %add3A_296, %mul3A_297 : i32
        %dma_start3A_299 = tpu.memref_slice %arg5[%mul3A_298] : memref<6400xi32, #tpu.memory_space<vmem>> -> memref<80xi32, #tpu.memory_space<vmem>>
        %dma_start3A_300 = arith.constant 0 : i32
        %dma_start3A_301 = arith.constant 0 : i32
        %dma_start3A_302 = tpu.memref_slice %arg2[%dma_start3A_300, %dma_start3A_301] : memref<1000000x128xf32, #tpu.memory_space<hbm>> -> memref<1000000x128xf32, #tpu.memory_space<hbm>>
        tpu.enqueue_indirect_dma source(%dma_start3A_302 : memref<1000000x128xf32, #tpu.memory_space<hbm>>) target(%arg12 : memref<80x128xf32, #tpu.memory_space<vmem>>) offsets(%dma_start3A_299 : memref<80xi32, #tpu.memory_space<vmem>>) semaphore(%arg22 : memref<!tpu.dma_semaphore, #tpu.memory_space<semaphore_mem>>)
      } else {
      }
      %dma_wait3A_245 = arith.constant 0 : i32
      %dma_wait3A_246 = tpu.memref_slice %arg5[%dma_wait3A_245] : memref<6400xi32, #tpu.memory_space<vmem>> -> memref<80xi32, #tpu.memory_space<vmem>>
      %dma_wait3A_247 = arith.constant 0 : i32
      %dma_wait3A_248 = arith.constant 0 : i32
      %dma_wait3A_249 = tpu.memref_slice %arg2[%dma_wait3A_247, %dma_wait3A_248] : memref<1000000x128xf32, #tpu.memory_space<hbm>> -> memref<1000000x128xf32, #tpu.memory_space<hbm>>
      tpu.wait_indirect_dma semaphore(%arg24 : memref<!tpu.dma_semaphore, #tpu.memory_space<semaphore_mem>>) src(%dma_wait3A_249 : memref<1000000x128xf32, #tpu.memory_space<hbm>>) dst(%arg14 : memref<80x128xf32, #tpu.memory_space<vmem>>)
      %add3A_250 = arith.constant 8 : i32
      %add3A_251 = arith.addi %mul3A_100, %add3A_250 : i32
      %mul3A_252 = arith.constant 80 : i32
      %mul3A_253 = arith.muli %add3A_251, %mul3A_252 : i32
      %add3A_254 = arith.addi %mul3A_2, %mul3A_253 : i32
      %dma_start3A_255 = arith.constant 0 : i32
      %dma_start3A_256 = tpu.memref_slice %arg4[%add3A_254, %dma_start3A_255] : memref<204800x128xf32, #tpu.memory_space<hbm>> -> memref<80x128xf32, #tpu.memory_space<hbm>>
      %dma_start3A_257 = arith.constant 0 : i32
      %dma_start3A_258 = tpu.memref_slice %arg4[%add3A_254, %dma_start3A_257] : memref<204800x128xf32, #tpu.memory_space<hbm>> -> memref<80x128xf32, #tpu.memory_space<hbm>>
      tpu.enqueue_dma source(%arg14 : memref<80x128xf32, #tpu.memory_space<vmem>>) target(%dma_start3A_258 : memref<80x128xf32, #tpu.memory_space<hbm>>) target_semaphore(%arg34 : memref<!tpu.dma_semaphore, #tpu.memory_space<semaphore_mem>>)
      %lt3A_259 = arith.constant 7 : i32
      %lt3A_260 = arith.cmpi slt, %scan3A_97, %lt3A_259 : i32
      %convert_element_type3A_261 = arith.extui %lt3A_260 : i1 to i32
      %cond3A_262 = arith.constant 0 : i32
      %cond3A_263 = arith.cmpi ne, %convert_element_type3A_261, %cond3A_262 : i32
      scf.if %cond3A_263 {
        %dma_wait3A_289 = arith.constant 0 : i32
        %dma_wait3A_290 = tpu.memref_slice %arg4[%mul3A_2, %dma_wait3A_289] : memref<204800x128xf32, #tpu.memory_space<hbm>> -> memref<80x128xf32, #tpu.memory_space<hbm>>
        %dma_wait3A_291 = arith.constant 0 : i32
        %dma_wait3A_292 = tpu.memref_slice %arg4[%mul3A_2, %dma_wait3A_291] : memref<204800x128xf32, #tpu.memory_space<hbm>> -> memref<80x128xf32, #tpu.memory_space<hbm>>
        tpu.wait_dma2 semaphore(%arg33 : memref<!tpu.dma_semaphore, #tpu.memory_space<semaphore_mem>>) src(%arg13 : memref<80x128xf32, #tpu.memory_space<vmem>>) dst(%dma_wait3A_292 : memref<80x128xf32, #tpu.memory_space<hbm>>)
        %add3A_293 = arith.constant 10 : i32
        %add3A_294 = arith.addi %mul3A_100, %add3A_293 : i32
        %add3A_295 = arith.constant 7 : i32
        %add3A_296 = arith.addi %add3A_294, %add3A_295 : i32
        %mul3A_297 = arith.constant 80 : i32
        %mul3A_298 = arith.muli %add3A_296, %mul3A_297 : i32
        %dma_start3A_299 = tpu.memref_slice %arg5[%mul3A_298] : memref<6400xi32, #tpu.memory_space<vmem>> -> memref<80xi32, #tpu.memory_space<vmem>>
        %dma_start3A_300 = arith.constant 0 : i32
        %dma_start3A_301 = arith.constant 0 : i32
        %dma_start3A_302 = tpu.memref_slice %arg2[%dma_start3A_300, %dma_start3A_301] : memref<1000000x128xf32, #tpu.memory_space<hbm>> -> memref<1000000x128xf32, #tpu.memory_space<hbm>>
        tpu.enqueue_indirect_dma source(%dma_start3A_302 : memref<1000000x128xf32, #tpu.memory_space<hbm>>) target(%arg13 : memref<80x128xf32, #tpu.memory_space<vmem>>) offsets(%dma_start3A_299 : memref<80xi32, #tpu.memory_space<vmem>>) semaphore(%arg23 : memref<!tpu.dma_semaphore, #tpu.memory_space<semaphore_mem>>)
      } else {
      }
      %dma_wait3A_264 = arith.constant 0 : i32
      %dma_wait3A_265 = tpu.memref_slice %arg5[%dma_wait3A_264] : memref<6400xi32, #tpu.memory_space<vmem>> -> memref<80xi32, #tpu.memory_space<vmem>>
      %dma_wait3A_266 = arith.constant 0 : i32
      %dma_wait3A_267 = arith.constant 0 : i32
      %dma_wait3A_268 = tpu.memref_slice %arg2[%dma_wait3A_266, %dma_wait3A_267] : memref<1000000x128xf32, #tpu.memory_space<hbm>> -> memref<1000000x128xf32, #tpu.memory_space<hbm>>
      tpu.wait_indirect_dma semaphore(%arg25 : memref<!tpu.dma_semaphore, #tpu.memory_space<semaphore_mem>>) src(%dma_wait3A_268 : memref<1000000x128xf32, #tpu.memory_space<hbm>>) dst(%arg15 : memref<80x128xf32, #tpu.memory_space<vmem>>)
      %add3A_269 = arith.constant 9 : i32
      %add3A_270 = arith.addi %mul3A_100, %add3A_269 : i32
      %mul3A_271 = arith.constant 80 : i32
      %mul3A_272 = arith.muli %add3A_270, %mul3A_271 : i32
      %add3A_273 = arith.addi %mul3A_2, %mul3A_272 : i32
      %dma_start3A_274 = arith.constant 0 : i32
      %dma_start3A_275 = tpu.memref_slice %arg4[%add3A_273, %dma_start3A_274] : memref<204800x128xf32, #tpu.memory_space<hbm>> -> memref<80x128xf32, #tpu.memory_space<hbm>>
      %dma_start3A_276 = arith.constant 0 : i32
      %dma_start3A_277 = tpu.memref_slice %arg4[%add3A_273, %dma_start3A_276] : memref<204800x128xf32, #tpu.memory_space<hbm>> -> memref<80x128xf32, #tpu.memory_space<hbm>>
      tpu.enqueue_dma source(%arg15 : memref<80x128xf32, #tpu.memory_space<vmem>>) target(%dma_start3A_277 : memref<80x128xf32, #tpu.memory_space<hbm>>) target_semaphore(%arg35 : memref<!tpu.dma_semaphore, #tpu.memory_space<semaphore_mem>>)
      %lt3A_278 = arith.constant 7 : i32
      %lt3A_279 = arith.cmpi slt, %scan3A_97, %lt3A_278 : i32
      %convert_element_type3A_280 = arith.extui %lt3A_279 : i1 to i32
      %cond3A_281 = arith.constant 0 : i32
      %cond3A_282 = arith.cmpi ne, %convert_element_type3A_280, %cond3A_281 : i32
      scf.if %cond3A_282 {
        %dma_wait3A_289 = arith.constant 0 : i32
        %dma_wait3A_290 = tpu.memref_slice %arg4[%mul3A_2, %dma_wait3A_289] : memref<204800x128xf32, #tpu.memory_space<hbm>> -> memref<80x128xf32, #tpu.memory_space<hbm>>
        %dma_wait3A_291 = arith.constant 0 : i32
        %dma_wait3A_292 = tpu.memref_slice %arg4[%mul3A_2, %dma_wait3A_291] : memref<204800x128xf32, #tpu.memory_space<hbm>> -> memref<80x128xf32, #tpu.memory_space<hbm>>
        tpu.wait_dma2 semaphore(%arg34 : memref<!tpu.dma_semaphore, #tpu.memory_space<semaphore_mem>>) src(%arg14 : memref<80x128xf32, #tpu.memory_space<vmem>>) dst(%dma_wait3A_292 : memref<80x128xf32, #tpu.memory_space<hbm>>)
        %add3A_293 = arith.constant 10 : i32
        %add3A_294 = arith.addi %mul3A_100, %add3A_293 : i32
        %add3A_295 = arith.constant 8 : i32
        %add3A_296 = arith.addi %add3A_294, %add3A_295 : i32
        %mul3A_297 = arith.constant 80 : i32
        %mul3A_298 = arith.muli %add3A_296, %mul3A_297 : i32
        %dma_start3A_299 = tpu.memref_slice %arg5[%mul3A_298] : memref<6400xi32, #tpu.memory_space<vmem>> -> memref<80xi32, #tpu.memory_space<vmem>>
        %dma_start3A_300 = arith.constant 0 : i32
        %dma_start3A_301 = arith.constant 0 : i32
        %dma_start3A_302 = tpu.memref_slice %arg2[%dma_start3A_300, %dma_start3A_301] : memref<1000000x128xf32, #tpu.memory_space<hbm>> -> memref<1000000x128xf32, #tpu.memory_space<hbm>>
        tpu.enqueue_indirect_dma source(%dma_start3A_302 : memref<1000000x128xf32, #tpu.memory_space<hbm>>) target(%arg14 : memref<80x128xf32, #tpu.memory_space<vmem>>) offsets(%dma_start3A_299 : memref<80xi32, #tpu.memory_space<vmem>>) semaphore(%arg24 : memref<!tpu.dma_semaphore, #tpu.memory_space<semaphore_mem>>)
      } else {
      }
      %lt3A_283 = arith.constant 7 : i32
      %lt3A_284 = arith.cmpi slt, %scan3A_97, %lt3A_283 : i32
      %convert_element_type3A_285 = arith.extui %lt3A_284 : i1 to i32
      %cond3A_286 = arith.constant 0 : i32
      %cond3A_287 = arith.cmpi ne, %convert_element_type3A_285, %cond3A_286 : i32
      scf.if %cond3A_287 {
        %dma_wait3A_289 = arith.constant 0 : i32
        %dma_wait3A_290 = tpu.memref_slice %arg4[%mul3A_2, %dma_wait3A_289] : memref<204800x128xf32, #tpu.memory_space<hbm>> -> memref<80x128xf32, #tpu.memory_space<hbm>>
        %dma_wait3A_291 = arith.constant 0 : i32
        %dma_wait3A_292 = tpu.memref_slice %arg4[%mul3A_2, %dma_wait3A_291] : memref<204800x128xf32, #tpu.memory_space<hbm>> -> memref<80x128xf32, #tpu.memory_space<hbm>>
        tpu.wait_dma2 semaphore(%arg35 : memref<!tpu.dma_semaphore, #tpu.memory_space<semaphore_mem>>) src(%arg15 : memref<80x128xf32, #tpu.memory_space<vmem>>) dst(%dma_wait3A_292 : memref<80x128xf32, #tpu.memory_space<hbm>>)
        %add3A_293 = arith.constant 10 : i32
        %add3A_294 = arith.addi %mul3A_100, %add3A_293 : i32
        %add3A_295 = arith.constant 9 : i32
        %add3A_296 = arith.addi %add3A_294, %add3A_295 : i32
        %mul3A_297 = arith.constant 80 : i32
        %mul3A_298 = arith.muli %add3A_296, %mul3A_297 : i32
        %dma_start3A_299 = tpu.memref_slice %arg5[%mul3A_298] : memref<6400xi32, #tpu.memory_space<vmem>> -> memref<80xi32, #tpu.memory_space<vmem>>
        %dma_start3A_300 = arith.constant 0 : i32
        %dma_start3A_301 = arith.constant 0 : i32
        %dma_start3A_302 = tpu.memref_slice %arg2[%dma_start3A_300, %dma_start3A_301] : memref<1000000x128xf32, #tpu.memory_space<hbm>> -> memref<1000000x128xf32, #tpu.memory_space<hbm>>
        tpu.enqueue_indirect_dma source(%dma_start3A_302 : memref<1000000x128xf32, #tpu.memory_space<hbm>>) target(%arg15 : memref<80x128xf32, #tpu.memory_space<vmem>>) offsets(%dma_start3A_299 : memref<80xi32, #tpu.memory_space<vmem>>) semaphore(%arg25 : memref<!tpu.dma_semaphore, #tpu.memory_space<semaphore_mem>>)
      } else {
      }
      %scan3A_288 = arith.constant 0 : i32
      scf.yield %scan3A_288 : i32
    }
    %scan3A_57 = arith.constant 8 : i32
    %dma_wait3A = arith.constant 0 : i32
    %dma_wait3A_58 = tpu.memref_slice %arg4[%mul3A_2, %dma_wait3A] : memref<204800x128xf32, #tpu.memory_space<hbm>> -> memref<80x128xf32, #tpu.memory_space<hbm>>
    %dma_wait3A_59 = arith.constant 0 : i32
    %dma_wait3A_60 = tpu.memref_slice %arg4[%mul3A_2, %dma_wait3A_59] : memref<204800x128xf32, #tpu.memory_space<hbm>> -> memref<80x128xf32, #tpu.memory_space<hbm>>
    tpu.wait_dma2 semaphore(%arg26 : memref<!tpu.dma_semaphore, #tpu.memory_space<semaphore_mem>>) src(%arg6 : memref<80x128xf32, #tpu.memory_space<vmem>>) dst(%dma_wait3A_60 : memref<80x128xf32, #tpu.memory_space<hbm>>)
    %dma_wait3A_61 = arith.constant 0 : i32
    %dma_wait3A_62 = tpu.memref_slice %arg4[%mul3A_2, %dma_wait3A_61] : memref<204800x128xf32, #tpu.memory_space<hbm>> -> memref<80x128xf32, #tpu.memory_space<hbm>>
    %dma_wait3A_63 = arith.constant 0 : i32
    %dma_wait3A_64 = tpu.memref_slice %arg4[%mul3A_2, %dma_wait3A_63] : memref<204800x128xf32, #tpu.memory_space<hbm>> -> memref<80x128xf32, #tpu.memory_space<hbm>>
    tpu.wait_dma2 semaphore(%arg27 : memref<!tpu.dma_semaphore, #tpu.memory_space<semaphore_mem>>) src(%arg7 : memref<80x128xf32, #tpu.memory_space<vmem>>) dst(%dma_wait3A_64 : memref<80x128xf32, #tpu.memory_space<hbm>>)
    %dma_wait3A_65 = arith.constant 0 : i32
    %dma_wait3A_66 = tpu.memref_slice %arg4[%mul3A_2, %dma_wait3A_65] : memref<204800x128xf32, #tpu.memory_space<hbm>> -> memref<80x128xf32, #tpu.memory_space<hbm>>
    %dma_wait3A_67 = arith.constant 0 : i32
    %dma_wait3A_68 = tpu.memref_slice %arg4[%mul3A_2, %dma_wait3A_67] : memref<204800x128xf32, #tpu.memory_space<hbm>> -> memref<80x128xf32, #tpu.memory_space<hbm>>
    tpu.wait_dma2 semaphore(%arg28 : memref<!tpu.dma_semaphore, #tpu.memory_space<semaphore_mem>>) src(%arg8 : memref<80x128xf32, #tpu.memory_space<vmem>>) dst(%dma_wait3A_68 : memref<80x128xf32, #tpu.memory_space<hbm>>)
    %dma_wait3A_69 = arith.constant 0 : i32
    %dma_wait3A_70 = tpu.memref_slice %arg4[%mul3A_2, %dma_wait3A_69] : memref<204800x128xf32, #tpu.memory_space<hbm>> -> memref<80x128xf32, #tpu.memory_space<hbm>>
    %dma_wait3A_71 = arith.constant 0 : i32
    %dma_wait3A_72 = tpu.memref_slice %arg4[%mul3A_2, %dma_wait3A_71] : memref<204800x128xf32, #tpu.memory_space<hbm>> -> memref<80x128xf32, #tpu.memory_space<hbm>>
    tpu.wait_dma2 semaphore(%arg29 : memref<!tpu.dma_semaphore, #tpu.memory_space<semaphore_mem>>) src(%arg9 : memref<80x128xf32, #tpu.memory_space<vmem>>) dst(%dma_wait3A_72 : memref<80x128xf32, #tpu.memory_space<hbm>>)
    %dma_wait3A_73 = arith.constant 0 : i32
    %dma_wait3A_74 = tpu.memref_slice %arg4[%mul3A_2, %dma_wait3A_73] : memref<204800x128xf32, #tpu.memory_space<hbm>> -> memref<80x128xf32, #tpu.memory_space<hbm>>
    %dma_wait3A_75 = arith.constant 0 : i32
    %dma_wait3A_76 = tpu.memref_slice %arg4[%mul3A_2, %dma_wait3A_75] : memref<204800x128xf32, #tpu.memory_space<hbm>> -> memref<80x128xf32, #tpu.memory_space<hbm>>
    tpu.wait_dma2 semaphore(%arg30 : memref<!tpu.dma_semaphore, #tpu.memory_space<semaphore_mem>>) src(%arg10 : memref<80x128xf32, #tpu.memory_space<vmem>>) dst(%dma_wait3A_76 : memref<80x128xf32, #tpu.memory_space<hbm>>)
    %dma_wait3A_77 = arith.constant 0 : i32
    %dma_wait3A_78 = tpu.memref_slice %arg4[%mul3A_2, %dma_wait3A_77] : memref<204800x128xf32, #tpu.memory_space<hbm>> -> memref<80x128xf32, #tpu.memory_space<hbm>>
    %dma_wait3A_79 = arith.constant 0 : i32
    %dma_wait3A_80 = tpu.memref_slice %arg4[%mul3A_2, %dma_wait3A_79] : memref<204800x128xf32, #tpu.memory_space<hbm>> -> memref<80x128xf32, #tpu.memory_space<hbm>>
    tpu.wait_dma2 semaphore(%arg31 : memref<!tpu.dma_semaphore, #tpu.memory_space<semaphore_mem>>) src(%arg11 : memref<80x128xf32, #tpu.memory_space<vmem>>) dst(%dma_wait3A_80 : memref<80x128xf32, #tpu.memory_space<hbm>>)
    %dma_wait3A_81 = arith.constant 0 : i32
    %dma_wait3A_82 = tpu.memref_slice %arg4[%mul3A_2, %dma_wait3A_81] : memref<204800x128xf32, #tpu.memory_space<hbm>> -> memref<80x128xf32, #tpu.memory_space<hbm>>
    %dma_wait3A_83 = arith.constant 0 : i32
    %dma_wait3A_84 = tpu.memref_slice %arg4[%mul3A_2, %dma_wait3A_83] : memref<204800x128xf32, #tpu.memory_space<hbm>> -> memref<80x128xf32, #tpu.memory_space<hbm>>
    tpu.wait_dma2 semaphore(%arg32 : memref<!tpu.dma_semaphore, #tpu.memory_space<semaphore_mem>>) src(%arg12 : memref<80x128xf32, #tpu.memory_space<vmem>>) dst(%dma_wait3A_84 : memref<80x128xf32, #tpu.memory_space<hbm>>)
    %dma_wait3A_85 = arith.constant 0 : i32
    %dma_wait3A_86 = tpu.memref_slice %arg4[%mul3A_2, %dma_wait3A_85] : memref<204800x128xf32, #tpu.memory_space<hbm>> -> memref<80x128xf32, #tpu.memory_space<hbm>>
    %dma_wait3A_87 = arith.constant 0 : i32
    %dma_wait3A_88 = tpu.memref_slice %arg4[%mul3A_2, %dma_wait3A_87] : memref<204800x128xf32, #tpu.memory_space<hbm>> -> memref<80x128xf32, #tpu.memory_space<hbm>>
    tpu.wait_dma2 semaphore(%arg33 : memref<!tpu.dma_semaphore, #tpu.memory_space<semaphore_mem>>) src(%arg13 : memref<80x128xf32, #tpu.memory_space<vmem>>) dst(%dma_wait3A_88 : memref<80x128xf32, #tpu.memory_space<hbm>>)
    %dma_wait3A_89 = arith.constant 0 : i32
    %dma_wait3A_90 = tpu.memref_slice %arg4[%mul3A_2, %dma_wait3A_89] : memref<204800x128xf32, #tpu.memory_space<hbm>> -> memref<80x128xf32, #tpu.memory_space<hbm>>
    %dma_wait3A_91 = arith.constant 0 : i32
    %dma_wait3A_92 = tpu.memref_slice %arg4[%mul3A_2, %dma_wait3A_91] : memref<204800x128xf32, #tpu.memory_space<hbm>> -> memref<80x128xf32, #tpu.memory_space<hbm>>
    tpu.wait_dma2 semaphore(%arg34 : memref<!tpu.dma_semaphore, #tpu.memory_space<semaphore_mem>>) src(%arg14 : memref<80x128xf32, #tpu.memory_space<vmem>>) dst(%dma_wait3A_92 : memref<80x128xf32, #tpu.memory_space<hbm>>)
    %dma_wait3A_93 = arith.constant 0 : i32
    %dma_wait3A_94 = tpu.memref_slice %arg4[%mul3A_2, %dma_wait3A_93] : memref<204800x128xf32, #tpu.memory_space<hbm>> -> memref<80x128xf32, #tpu.memory_space<hbm>>
    %dma_wait3A_95 = arith.constant 0 : i32
    %dma_wait3A_96 = tpu.memref_slice %arg4[%mul3A_2, %dma_wait3A_95] : memref<204800x128xf32, #tpu.memory_space<hbm>> -> memref<80x128xf32, #tpu.memory_space<hbm>>
    tpu.wait_dma2 semaphore(%arg35 : memref<!tpu.dma_semaphore, #tpu.memory_space<semaphore_mem>>) src(%arg15 : memref<80x128xf32, #tpu.memory_space<vmem>>) dst(%dma_wait3A_96 : memref<80x128xf32, #tpu.memory_space<hbm>>)
    return
  }
}

</mosaic_0001>

<sc_bundles>
// kernel: _gather.3.cloned.1.call-start
scs
__scs_entry_jumppad:
0x0: {  	(pc) =	sbr.rel $0x88, $3  }
0x1: {  	(tag) =	ssettag $0x0;
	lr =	simm.s32 $0x1  }
0x2: {  	[smem:$0x3F9F] =	sst lr;
	_ =	strace $0xD0000000  }
0x3: {  	_ = 	snop  }
0x4: {  	_ = 	snop  }
0x5: {  	_ = 	snop  }
0x6: {  	_ = 	snop  }
0x7: {  	_ = 	snop  }
__scs_overlays_trampoline_lowered:
0x8: {  	[smem:$0x3FAE] =	sst s0  }
0x9: {  	[smem:$0x3FAF] =	sst s1  }
0xa: {  	[smem:$0x3FB0] =	sst s2  }
0xb: {  	[smem:$0x3FB1] =	sst s3  }
0xc: {  	[smem:$0x3FB2] =	sst s4  }
0xd: {  	[smem:$0x3FB3] =	sst s5  }
0xe: {  	[smem:$0x3FB4] =	sst s6  }
0xf: {  	[smem:$0x3FB5] =	sst s7  }
0x10: {  	[smem:$0x3FB6] =	sst s8  }
0x11: {  	[smem:$0x3FB7] =	sst s9;
	s0 =	simm.s32 @!p0 $0x0  }
0x12: {  	s1 =	sld [smem:$0x3F9D];
	s0 =	simm.s32 @p0 $0x1  }
0x13: {  	[smem:$0x3FB8] =	sst s0;
	s0 =	simm.s32 @!p1 $0x0  }
0x14: {  	s2 =	sld [smem:$0x3F9C];
	s0 =	simm.s32 @p1 $0x1  }
0x15: {  	[smem:$0x3FB9] =	sst s0;
	s0 =	simm.s32 @!p2 $0x0  }
0x16: {  	s3 =	sld [smem:$0x3FDB];
	s0 =	simm.s32 @p2 $0x1  }
0x17: {  	s4 =	simm.s32 $0x1BF5;
	[smem:$0x3FBB] =	sst s0  }
0x18: {  	s0 =	sld [smem:$0x3F9E];
	_ =	swait.ge [sflag:s4], $0x0  }
0x19: {  	s7 =	sld [smem:$0x3F9F]  }
0x1a: {  	s8 =	sadd.s32 $0xFFFFE003, lr  }
0x1b: {  	s9 =	sadd.s32 $0xFFFFFEF7, lr;
	s5 =	simm.s32 $0xFFFFFFFF;
	p2 =	slt.u32 s8, $0xFFFFF086  }
0x1c: {  	p1 =	slt.u32 s9, $0xF7A;
	s5 =	simm.s32 @!p2 $0x0  }
0x1d: {  	s5 =	simm.s32 @p1 $0x1;
	p0 =	seq.s32 s7, s2  }
0x1e: {  	s7 =	smul.u32 @!p0 $0xF7A, s2;
	p2 =	seq.s32 @!p0 s5, $0x0  }
0x1f: {  	s9 =	smul.u32 $0xF7A, s1;
	s8 =	simm.s32 @!p0 $0x1BF5;
	p2 =	por !p2, p0  }
0x20: {  	[sflag:s8] =	ssyncset.s32 @!p0 $0xFFFFF086;
	s6 =	sadd.s32 @!p0 s3, s7;
	s7 =	simm.s32 @!p0 $0x108  }
0x21: {  	s3 =	sadd.s32 s3, s9;
	s6 =	sadd.s32 @!p0 $0x88, s6;
	s7 =	simm.s32 @p2 $0x1082  }
0x22: {  	[simem:s7], [sflag:s8] =	dma.local @!p0 [hbm:s6], $0xF7A  }
0x23: {  	s9 =	sor.u32 $0xD0000000, s2;
	s6 =	simm.s32 $0x108;
	_ =	swait.ge @!p0 [sflag:s8], $0x0  }
0x24: {  	s3 =	sadd.s32 $0x88, s3;
	s6 =	simm.s32 @!p1 $0x1082;
	[sflag:s4] =	ssyncset.s32 $0xFFFFF086  }
0x25: {  	[simem:s6], [sflag:s4] =	dma.local [hbm:s3], $0xF7A  }
0x26: {  	[smem:$0x3F9F] =	sst s1;
	(tag) =	ssettag s2;
	_ =	strace s9  }
0x27: {  	s1 =	sld [smem:$0x3FAF]  }
0x28: {  	s2 =	sld [smem:$0x3FB0]  }
0x29: {  	s4 =	sld [smem:$0x3FB2]  }
0x2a: {  	p0 =	seq.s32 s5, $0x0;
	s5 =	sld [smem:$0x3FB3]  }
0x2b: {  	s6 =	sld [smem:$0x3FB4]  }
0x2c: {  	s7 =	sld [smem:$0x3FB5]  }
0x2d: {  	s3 =	simm.s32 $0x108;
	s8 =	sld [smem:$0x3FB6]  }
0x2e: {  	s3 =	simm.s32 @!p0 $0x1082;
	s9 =	sld [smem:$0x3FB7]  }
0x2f: {  	lr =	sadd.s32 s0, s3;
	s0 =	sld [smem:$0x3FAE]  }
0x30: {  	s3 =	sld [smem:$0x3FB1]  }
0x31: {  	[smem:$0x3FBA] =	sst s10  }
0x32: {  	s10 =	sld [smem:$0x3FB8];
	_ =	sdelay $0x3  }
0x33: {  	p0 =	seq.s32 s10, $0x1;
	s10 =	sld [smem:$0x3FBA];
	_ =	sdelay $0x3  }
0x34: {  	[smem:$0x3FBA] =	sst s10  }
0x35: {  	s10 =	sld [smem:$0x3FB9];
	_ =	sdelay $0x3  }
0x36: {  	p1 =	seq.s32 s10, $0x1;
	s10 =	sld [smem:$0x3FBA];
	_ =	sdelay $0x3  }
0x37: {  	[smem:$0x3FBA] =	sst s10  }
0x38: {  	s10 =	sld [smem:$0x3FBB]  }
0x39: {  	_ = 	snop;
	(pc) =	sbr.ind lr, $3  }
0x3a: {  	_ = 	snop  }
0x3b: {  	_ = 	snop  }
0x3c: {  	p2 =	seq.s32 s10, $0x1;
	s10 =	sld [smem:$0x3FBA]  }
0x3d: {  	_ =	shalt  }
0x3e: {  	_ =	shalt  }
0x3f: {  	_ =	shalt  }
0x40: {  	_ =	shalt  }
0x41: {  	_ =	shalt  }
0x42: {  	_ =	shalt  }
0x43: {  	_ =	shalt  }
0x44: {  	_ =	shalt  }
0x45: {  	_ =	shalt  }
0x46: {  	_ =	shalt  }
0x47: {  	_ =	shalt  }
0x48: {  	_ =	shalt  }
0x49: {  	_ =	shalt  }
0x4a: {  	_ =	shalt  }
0x4b: {  	_ =	shalt  }
0x4c: {  	_ =	shalt  }
0x4d: {  	_ =	shalt  }
0x4e: {  	_ =	shalt  }
0x4f: {  	_ =	shalt  }
0x50: {  	_ =	shalt  }
0x51: {  	_ =	shalt  }
0x52: {  	_ =	shalt  }
0x53: {  	_ =	shalt  }
0x54: {  	_ =	shalt  }
0x55: {  	_ =	shalt  }
0x56: {  	_ =	shalt  }
0x57: {  	_ =	shalt  }
0x58: {  	_ =	shalt  }
0x59: {  	_ =	shalt  }
0x5a: {  	_ =	shalt  }
0x5b: {  	_ =	shalt  }
0x5c: {  	_ =	shalt  }
0x5d: {  	_ =	shalt  }
0x5e: {  	_ =	shalt  }
0x5f: {  	_ =	shalt  }
0x60: {  	_ =	shalt  }
0x61: {  	_ =	shalt  }
0x62: {  	_ =	shalt  }
0x63: {  	_ =	shalt  }
0x64: {  	_ =	shalt  }
0x65: {  	_ =	shalt  }
0x66: {  	_ =	shalt  }
0x67: {  	_ =	shalt  }
0x68: {  	_ =	shalt  }
0x69: {  	_ =	shalt  }
0x6a: {  	_ =	shalt  }
0x6b: {  	_ =	shalt  }
0x6c: {  	_ =	shalt  }
0x6d: {  	_ =	shalt  }
0x6e: {  	_ =	shalt  }
0x6f: {  	_ =	shalt  }
0x70: {  	_ =	shalt  }
0x71: {  	_ =	shalt  }
0x72: {  	_ =	shalt  }
0x73: {  	_ =	shalt  }
0x74: {  	_ =	shalt  }
0x75: {  	_ =	shalt  }
0x76: {  	_ =	shalt  }
0x77: {  	_ =	shalt  }
0x78: {  	_ =	shalt  }
0x79: {  	_ =	shalt  }
0x7a: {  	_ =	shalt  }
0x7b: {  	_ =	shalt  }
0x7c: {  	_ =	shalt  }
0x7d: {  	_ =	shalt  }
0x7e: {  	_ =	shalt  }
0x7f: {  	_ =	shalt  }
0x80: {  	_ =	shalt  }
0x81: {  	_ =	shalt  }
0x82: {  	_ =	shalt  }
0x83: {  	_ =	shalt  }
0x84: {  	_ =	shalt  }
0x85: {  	_ =	shalt  }
0x86: {  	_ =	shalt  }
0x87: {  	_ =	shalt  }
.Lfunc_end0:
.L_simem_size_0:
called_computation_lowered:
.L_overlay_start_0:
0x88: {  	s2 =	sld [smem:$0x3FD9]  }
0x89: {  	s3 =	sld [smem:$0x3FFE];
	_ =	sdelay $0x1  }
0x8a: {  	s1 =	srdreg.scid  }
0x8b: {  	s0 =	sand.u32 $0x1, s1  }
0x8c: {  	s18 =	sshll.u32 s0, $0xA;
	s2 =	sadd.s32 s3, s2  }
0x8d: {  	s2 =	sadd.s32 s2, s18  }
0x8e: {  	[smem:$0x3FC6] =	sst s2  }
0x8f: {  	_ = 	snop  }
0x90: {  	s2 =	sld [smem:$0x3FC9]  }
0x91: {  	s19 =	sld [smem:$0x3FC8]  }
0x92: {  	s4 =	sld [smem:$0x3FD0];
	(tm) =	ssettm $0x1  }
0x93: {  	s5 =	sld [smem:$0x3FFB];
	_ =	sdelay $0x3  }
0x94: {  	_ =	strace s5  }
0x95: {  	s5 =	sld [smem:$0x3FFC];
	_ =	sdelay $0x3  }
0x96: {  	_ =	strace s5  }
0x97: {  	s5 =	sld [smem:$0x3FFD];
	_ =	sdelay $0x3  }
0x98: {  	_ =	strace s5  }
0x99: {  	_ =	strace $0x8FFFFFFF  }
0x9a: {  	s20 =	sld [smem:$0x3FDB];
	_ =	sdelay $0x1  }
0x9b: {  	s6 =	simm.s32 $_scs_section_size  }
0x9c: {  	s7 =	simm.s32 $_size__tile_overlayer_lowered;
	s8 =	simm.s32 $_tile_overlayer_lowered  }
0x9d: {  	s23 =	simm.s32 $0x1BFF;
	s22 =	sshll.u32 s8, $0x1;
	s5 =	sadd.s32 s6, s20  }
0x9e: {  	s9 =	simm.s32 $0x0;
	s21 =	sshll.u32 s7, $0x1;
	s7 =	sadd.s32 s22, s5  }
0x9f: {  	[timem:s9], [sflag:s23] =	dma.local [hbm:s7], s21  }
0xa0: {  	_ =	swait.ge [sflag:s23], s21  }
0xa1: {  	s6 =	ssub.s32 $0x0, s21;
	[sflag:s23] =	ssyncset.done $0x0  }
0xa2: {  	[sflag:s23] =	ssyncadd.s32 s6;
	_ =	sdelay $0x1  }
0xa3: {  	s24 =	simm.s32 $0x1B8B  }
0xa4: {  	_ =	swait.ge [sflag:s24], $0x1  }
0xa5: {  	[sflag:s24] =	ssyncset.done $0x0  }
0xa6: {  	s25 =	simm.s32 $0x1B8E;
	[sflag:s24] =	ssyncadd.s32 $0xFFFFFFFF  }
0xa7: {  	s26 =	simm.s32 $execute0_lowered;
	[smem:$0x3FD2] =	sst s25  }
0xa8: {  	s6 =	sshll.u32 s26, $0x1;
	_ =	strace $0x80000046;
	[dreg:$0x1] =	wrdreg $0xFFFFFFFF  }
0xa9: {  	s28 =	simm.s32 $_size_execute0_lowered;
	s5 =	sadd.s32 s5, s6;
	[dreg:$0x0] =	wrdreg $0x0  }
0xaa: {  	s6 =	sshll.u32 s28, $0x1;
	[dreg:$0x2] =	wrdreg s5  }
0xab: {  	[dreg:$0x3] =	wrdreg s6  }
0xac: {  	[dreg:$0x4] =	wrdreg $0xC0  }
0xad: {  	_ =	task [dreg:s9], $0x5FFFF  }
0xae: {  	[dreg:$0x1] =	wrdreg $0xFFFFFFFF  }
0xaf: {  	[dreg:$0x0] =	wrdreg $0x60  }
0xb0: {  	[dreg:$0x2] =	wrdreg s2  }
0xb1: {  	[dreg:$0x3] =	wrdreg s19  }
0xb2: {  	[dreg:$0x4] =	wrdreg s4  }
0xb3: {  	[dreg:$0x5] =	wrdreg $0x9  }
0xb4: {  	_ =	task.clear_ibuf [dreg:s9], $0x6FFFF;
	_ =	strace $0x90000046  }
0xb5: {  	s29 =	simm.s32 $0x9;
	_ =	strace $0x80000048  }
0xb6: {  	_ =	swait.ge [sflag:s29], $0x1  }
0xb7: {  	[sflag:s29] =	ssyncadd.s32 $0xFFFFFFFF  }
0xb8: {  	_ =	strace $0x90000048  }
0xb9: {  	_ =	sfence  }
0xba: {  	s30 =	sld [smem:$0x0];
	_ =	sdelay $0x2  }
0xbb: {  	s31 =	sshll.u32 s1, $0xD;
	s1 =	sshrl.u32 s1, $0x2  }
0xbc: {  	s3 =	sand.u32 $0x4000, s31;
	s1 =	sadd.s32 s1, s30  }
0xbd: {  	s0 =	sor.u32 s3, s0;
	s1 =	sshll.u32 s1, $0x11  }
0xbe: {  	s0 =	sor.u32 s1, s0  }
0xbf: {  	s0 =	sadd.s32 $0x8F2B, s0  }
0xc0: {  	[sflag:s0] =	ssyncadd.remote.s32 $0x1  }
0xc1: {  	_ =	sfence.sel $0xFFFF  }
0xc2: {  	[dreg:$0x0] =	wrdreg $0xFFFFFFFF;
	(pc) =	sbr.abs _section_cstart, $3  }
0xc3: {  	[dreg:$0x1] =	wrdreg $0xFFFFFFFF  }
0xc4: {  	_ =	task.clear_ibuf [dreg:s9], $0x2FFFF;
	_ =	strace $0x9FFFFFFF  }
0xc5: {  	(tm) =	ssettm $0x7FFFFFFF  }
tec
execute0_lowered:
.L_overlay_start_1:
0x0: {  	(tag) =	ssettag $0x1  }
0x1: {  	s1 =	rddreg [dreg:$0x0]  }
0x2: {  	s0 =	rddreg [dreg:$0x1];
	s2 =	srdreg.scid  }
0x3: {  	s9 =	stileid.u32;
	s4 =	rddreg [dreg:$0x2]  }
0x4: {  	s3 =	simm.s32 $0x0;
	s12 =	simm.s32 $0x50;
	s13 =	simm.s32 $0x1900  }
0x5: {  	s14 =	simm.s32 $0x4100;
	s18 =	simm.s32 $0x9100;
	s22 =	simm.s32 $0xE100  }
0x6: {  	s29 =	simm.s32 $0x15900;
	s31 =	simm.s32 $0x18100;
	s15 =	simm.s32 $0x4  }
0x7: {  	s16 =	simm.s32 $0x6;
	s17 =	simm.s32 $0x8;
	s19 =	simm.s32 $0xA  }
0x8: {  	s10 =	simm.s32 $0x14;
	s2 =	sand.u32 $0x1, s2;
	s5 =	sshll.u32 s9, $0x1  }
0x9: {  	s11 =	simm.s32 $0x0;
	s25 =	smul.u32 $0x32000, s9;
	s5 =	sor.u32 s2, s5  }
0xa: {  	[smem:$0x7FF] =	sst s3;
	s6 =	ssub.s32 $0x2, s2;
	s7 =	smul.u32 $0x1900, s5  }
0xb: {  	_ =	strace $0x80000047;
	s8 =	sshrl.u32 s6, $0x1;
	s5 =	smul.u32 $0x19000, s5  }
0xc: {  	s2 =	smul.u32 $0x19000, s2;
	s6 =	ssub.s32 s6, s8;
	s7 =	sshrl.u32 s7, $0x3  }
0xd: {  	s26 =	sadd.s32 s4, s5;
	s28 =	smax.u32 s6, $0x1;
	s4 =	sadd.s32 s25, s4  }
.Ltmp0:
0xe: {  	s5 =	simm.s32 $0x13;
	s0 =	sadd.s32 s0, s7;
	(pc) =	sbr.rel .LBB2_1-.Ltmp0, $4  }
0xf: {  	[dreg:$0x5] =	wrdreg s28;
	s6 =	sadd.s32 $0x16800, s26;
	s7 =	sadd.s32 $0x17200, s26  }
0x10: {  	s8 =	sadd.s32 $0x17C00, s26;
	s2 =	sadd.s32 s2, s4;
	s9 =	sadd.s32 $0x18600, s26  }
0x11: {  	s26 =	simm.s32 $0x13100;
	[dreg:$0x4] =	wrdreg s0;
	s30 =	sadd.s32 $0x2D00, s2  }
0x12: {  	s2 =	simm.s32 $0x1;
	s0 =	simm.s32 $0x2;
	[dreg:$0x6] =	wrdreg s30  }
.LBB2_4:
0x13: {  	s4 =	simm.s32 $0xB  }
0x14: {  	_ =	swait.ge [sflag:s4], $0x2800  }
0x15: {  	[sflag:s4] =	ssyncset.done $0x0  }
0x16: {  	s11 =	simm.s32 $0xC;
	[sflag:s4] =	ssyncadd.s32 $0xFFFFD800  }
0x17: {  	_ =	swait.ge [sflag:s11], $0x2800  }
0x18: {  	[sflag:s11] =	ssyncset.done $0x0  }
0x19: {  	s20 =	simm.s32 $0xD;
	[sflag:s11] =	ssyncadd.s32 $0xFFFFD800  }
0x1a: {  	_ =	swait.ge [sflag:s20], $0x2800  }
0x1b: {  	[sflag:s20] =	ssyncset.done $0x0  }
0x1c: {  	s21 =	simm.s32 $0xE;
	[sflag:s20] =	ssyncadd.s32 $0xFFFFD800  }
0x1d: {  	_ =	swait.ge [sflag:s21], $0x2800  }
0x1e: {  	[sflag:s21] =	ssyncset.done $0x0  }
0x1f: {  	s23 =	simm.s32 $0xF;
	[sflag:s21] =	ssyncadd.s32 $0xFFFFD800  }
0x20: {  	_ =	swait.ge [sflag:s23], $0x2800  }
0x21: {  	[sflag:s23] =	ssyncset.done $0x0  }
0x22: {  	s24 =	simm.s32 $0x10;
	[sflag:s23] =	ssyncadd.s32 $0xFFFFD800  }
0x23: {  	_ =	swait.ge [sflag:s24], $0x2800  }
0x24: {  	[sflag:s24] =	ssyncset.done $0x0  }
0x25: {  	s25 =	simm.s32 $0x11;
	[sflag:s24] =	ssyncadd.s32 $0xFFFFD800  }
0x26: {  	_ =	swait.ge [sflag:s25], $0x2800  }
0x27: {  	[sflag:s25] =	ssyncset.done $0x0  }
0x28: {  	s28 =	simm.s32 $0x12;
	[sflag:s25] =	ssyncadd.s32 $0xFFFFD800  }
0x29: {  	_ =	swait.ge [sflag:s28], $0x2800  }
0x2a: {  	[sflag:s28] =	ssyncset.done $0x0  }
0x2b: {  	[sflag:s28] =	ssyncadd.s32 $0xFFFFD800  }
0x2c: {  	_ =	swait.ge [sflag:s5], $0x2800  }
0x2d: {  	[sflag:s5] =	ssyncset.done $0x0  }
0x2e: {  	[sflag:s5] =	ssyncadd.s32 $0xFFFFD800  }
0x2f: {  	_ =	swait.ge [sflag:s10], $0x2800  }
0x30: {  	s11 =	rddreg [dreg:$0x7]  }
0x31: {  	s30 =	rddreg [dreg:$0x5];
	s11 =	sadd.s32 $0x1, s11  }
0x32: {  	p0 =	sne.s32 s11, s30  }
.Ltmp1:
0x33: {  	_ = 	snop;
	(pc) =	sbr.rel @!p0 .LBB2_5-.Ltmp1, $3  }
0x34: {  	_ =	sdelay $0x1  }
0x35: {  	[sflag:s10] =	ssyncset.done $0x0  }
0x36: {  	[sflag:s10] =	ssyncadd.s32 $0xFFFFD800  }
.LBB2_1:
0x37: {  	[dreg:$0x7] =	wrdreg s11  }
0x38: {  	s4 =	rddreg [dreg:$0x4];
	s24 =	simm.s32 $0x15  }
0x39: {  	[tilespmem:s3], [sflag:$0x15] =	stream.linear.gather [hbm4b:s4+s3], $0x1900, $0x38;
	[tilespmem:$0x1A900] =	vst v63  }
0x3a: {  	_ =	swait.ge [sflag:s24], $0x1900  }
0x3b: {  	[sflag:s24] =	ssyncset.done $0x0  }
0x3c: {  	[sflag:s24] =	ssyncadd.s32 $0xFFFFE700  }
0x3d: {  	[tilespmem:s13], [sflag:$0x1] =	stream.indirect.gather [hbm4b:s1+s12], $0x80, s3, s12, $0xb8;
	[tilespmem:$0x1A900] =	vst v63  }
0x3e: {  	_ = 	snop  }
0x3f: {  	[tilespmem:s14], [sflag:$0x2] =	stream.indirect.gather [hbm4b:s1+s12], $0x80, s12, s12, $0xb8;
	[tilespmem:$0x1A900] =	vst v63  }
0x40: {  	s25 =	simm.s32 $0xA0;
	s28 =	simm.s32 $0x6900  }
0x41: {  	[tilespmem:s28], [sflag:$0x3] =	stream.indirect.gather [hbm4b:s1+s12], $0x80, s25, s12, $0xb8;
	[tilespmem:$0x1A900] =	vst v63  }
0x42: {  	s30 =	simm.s32 $0xF0  }
0x43: {  	[tilespmem:s18], [sflag:$0x4] =	stream.indirect.gather [hbm4b:s1+s12], $0x80, s30, s12, $0xb8;
	[tilespmem:$0x1A900] =	vst v63  }
0x44: {  	s11 =	simm.s32 $0x140;
	s20 =	simm.s32 $0xB900  }
0x45: {  	[tilespmem:s20], [sflag:$0x5] =	stream.indirect.gather [hbm4b:s1+s12], $0x80, s11, s12, $0xb8;
	[tilespmem:$0x1A900] =	vst v63  }
0x46: {  	s21 =	simm.s32 $0x190  }
0x47: {  	[tilespmem:s22], [sflag:$0x6] =	stream.indirect.gather [hbm4b:s1+s12], $0x80, s21, s12, $0xb8;
	[tilespmem:$0x1A900] =	vst v63  }
0x48: {  	s23 =	simm.s32 $0x1E0;
	s24 =	simm.s32 $0x10900  }
0x49: {  	[tilespmem:s24], [sflag:$0x7] =	stream.indirect.gather [hbm4b:s1+s12], $0x80, s23, s12, $0xb8;
	[tilespmem:$0x1A900] =	vst v63  }
0x4a: {  	s25 =	simm.s32 $0x230  }
0x4b: {  	[tilespmem:s26], [sflag:$0x8] =	stream.indirect.gather [hbm4b:s1+s12], $0x80, s25, s12, $0xb8;
	[tilespmem:$0x1A900] =	vst v63  }
0x4c: {  	s28 =	simm.s32 $0x280  }
0x4d: {  	[tilespmem:s29], [sflag:$0x9] =	stream.indirect.gather [hbm4b:s1+s12], $0x80, s28, s12, $0xb8;
	[tilespmem:$0x1A900] =	vst v63  }
0x4e: {  	s30 =	simm.s32 $0x2D0;
	s20 =	rddreg [dreg:$0x6];
	s21 =	simm.s32 $0x0  }
0x4f: {  	[tilespmem:s31], [sflag:$0xA] =	stream.indirect.gather [hbm4b:s1+s12], $0x80, s30, s12, $0xb8;
	[tilespmem:$0x1A900] =	vst v63  }
.LBB2_2:
0x50: {  	_ =	swait.ge [sflag:s2], $0x2800  }
0x51: {  	[sflag:s2] =	ssyncset.done $0x0  }
0x52: {  	s23 =	sadd.s32 $0xFFFFD300, s20;
	[sflag:s2] =	ssyncadd.s32 $0xFFFFD800  }
0x53: {  	[hbm4b:s23+s3] =	stream.linear.scatter [tilespmem:s13], [sflag:$0xB], $0x2800, $0x38;
	[tilespmem:$0x1A900] =	vst v63  }
0x54: {  	_ =	swait.ge [sflag:s0], $0x2800  }
0x55: {  	p0 =	seq.s32 s21, $0x5780;
	[sflag:s0] =	ssyncset.done $0x0  }
0x56: {  	s28 =	sadd.s32 $0xFFFFD800, s20;
	s23 =	simm.s32 @p0 $0x3;
	[sflag:s0] =	ssyncadd.s32 $0xFFFFD800  }
0x57: {  	[hbm4b:s28+s3] =	stream.linear.scatter [tilespmem:s14], [sflag:$0xC], $0x2800, $0x38;
	[tilespmem:$0x1A900] =	vst v63  }
0x58: {  	_ =	swait.ge @p0 [sflag:s23], $0x2800  }
0x59: {  	[sflag:s23] =	ssyncset.done @p0 $0x0  }
0x5a: {  	s25 =	simm.s32 @p0 $0x0;
	[sflag:s23] =	ssyncadd.s32 @p0 $0xFFFFD800;
	s23 =	simm.s32 @p0 $0x6900  }
0x5b: {  	[hbm4b:s6+s25] =	stream.linear.scatter @p0 [tilespmem:s23], [sflag:$0xD], $0x2800, $0x38;
	[tilespmem:$0x1A900] =	vst v63  }
0x5c: {  	s23 =	simm.s32 @!p0 $0xB  }
0x5d: {  	_ =	swait.ge @!p0 [sflag:s23], $0x2800  }
0x5e: {  	[sflag:s23] =	ssyncset.done @!p0 $0x0  }
0x5f: {  	[sflag:s23] =	ssyncadd.s32 @!p0 $0xFFFFD800;
	s23 =	sshra.s32 @!p0 s21, $0x2  }
0x60: {  	s24 =	simm.s32 @!p0 $0x50;
	s30 =	simm.s32 @!p0 $0x1900;
	s28 =	sadd.s32 @!p0 $0x320, s23  }
0x61: {  	[tilespmem:s30], [sflag:$0x1] =	stream.indirect.gather @!p0 [hbm4b:s1+s24], $0x80, s28, s24, $0xb8;
	[tilespmem:$0x1A900] =	vst v63  }
0x62: {  	s28 =	simm.s32 @!p0 $0x3  }
0x63: {  	_ =	swait.ge @!p0 [sflag:s28], $0x2800  }
0x64: {  	s4 =	simm.s32 @!p0 $0x6900;
	[sflag:s28] =	ssyncset.done @!p0 $0x0  }
0x65: {  	s30 =	sadd.s32 @!p0 $0xFFFFDD00, s20;
	[sflag:s28] =	ssyncadd.s32 @!p0 $0xFFFFD800;
	s28 =	simm.s32 @!p0 $0x0  }
0x66: {  	[hbm4b:s30+s28] =	stream.linear.scatter @!p0 [tilespmem:s4], [sflag:$0xD], $0x2800, $0x38;
	[tilespmem:$0x1A900] =	vst v63  }
0x67: {  	s30 =	simm.s32 @!p0 $0xC  }
0x68: {  	_ =	swait.ge @!p0 [sflag:s30], $0x2800  }
0x69: {  	[sflag:s30] =	ssyncset.done @!p0 $0x0  }
0x6a: {  	s11 =	simm.s32 @!p0 $0x4100;
	[sflag:s30] =	ssyncadd.s32 @!p0 $0xFFFFD800;
	s30 =	sadd.s32 @!p0 $0x370, s23  }
0x6b: {  	[tilespmem:s11], [sflag:$0x2] =	stream.indirect.gather @!p0 [hbm4b:s1+s24], $0x80, s30, s24, $0xb8;
	[tilespmem:$0x1A900] =	vst v63  }
0x6c: {  	_ =	swait.ge [sflag:s15], $0x2800  }
0x6d: {  	[sflag:s15] =	ssyncset.done $0x0  }
0x6e: {  	s30 =	sadd.s32 $0xFFFFE200, s20;
	s11 =	simm.s32 @p0 $0x5;
	[sflag:s15] =	ssyncadd.s32 $0xFFFFD800  }
0x6f: {  	[hbm4b:s30+s3] =	stream.linear.scatter [tilespmem:s18], [sflag:$0xE], $0x2800, $0x38;
	[tilespmem:$0x1A900] =	vst v63  }
0x70: {  	_ =	swait.ge @p0 [sflag:s11], $0x2800  }
0x71: {  	[sflag:s11] =	ssyncset.done @p0 $0x0  }
0x72: {  	[sflag:s11] =	ssyncadd.s32 @p0 $0xFFFFD800;
	s11 =	simm.s32 @p0 $0xB900  }
0x73: {  	[hbm4b:s7+s25] =	stream.linear.scatter @p0 [tilespmem:s11], [sflag:$0xF], $0x2800, $0x38;
	[tilespmem:$0x1A900] =	vst v63  }
0x74: {  	s11 =	simm.s32 @!p0 $0xD  }
0x75: {  	_ =	swait.ge @!p0 [sflag:s11], $0x2800  }
0x76: {  	[sflag:s11] =	ssyncset.done @!p0 $0x0  }
0x77: {  	[sflag:s11] =	ssyncadd.s32 @!p0 $0xFFFFD800;
	s11 =	sadd.s32 @!p0 $0x3C0, s23  }
0x78: {  	[tilespmem:s4], [sflag:$0x3] =	stream.indirect.gather @!p0 [hbm4b:s1+s24], $0x80, s11, s24, $0xb8;
	[tilespmem:$0x1A900] =	vst v63  }
0x79: {  	s4 =	simm.s32 @!p0 $0x5  }
0x7a: {  	_ =	swait.ge @!p0 [sflag:s4], $0x2800  }
0x7b: {  	[sflag:s4] =	ssyncset.done @!p0 $0x0  }
0x7c: {  	s11 =	simm.s32 @!p0 $0xB900;
	[sflag:s4] =	ssyncadd.s32 @!p0 $0xFFFFD800;
	s4 =	sadd.s32 @!p0 $0xFFFFE700, s20  }
0x7d: {  	[hbm4b:s4+s28] =	stream.linear.scatter @!p0 [tilespmem:s11], [sflag:$0xF], $0x2800, $0x38;
	[tilespmem:$0x1A900] =	vst v63  }
0x7e: {  	s4 =	simm.s32 @!p0 $0xE  }
0x7f: {  	_ =	swait.ge @!p0 [sflag:s4], $0x2800  }
0x80: {  	[sflag:s4] =	ssyncset.done @!p0 $0x0  }
0x81: {  	s30 =	simm.s32 @!p0 $0x9100;
	[sflag:s4] =	ssyncadd.s32 @!p0 $0xFFFFD800;
	s4 =	sadd.s32 @!p0 $0x410, s23  }
0x82: {  	[tilespmem:s30], [sflag:$0x4] =	stream.indirect.gather @!p0 [hbm4b:s1+s24], $0x80, s4, s24, $0xb8;
	[tilespmem:$0x1A900] =	vst v63  }
0x83: {  	_ =	swait.ge [sflag:s16], $0x2800  }
0x84: {  	[sflag:s16] =	ssyncset.done $0x0  }
0x85: {  	s30 =	sadd.s32 $0xFFFFEC00, s20;
	s4 =	simm.s32 @p0 $0x7;
	[sflag:s16] =	ssyncadd.s32 $0xFFFFD800  }
0x86: {  	[hbm4b:s30+s3] =	stream.linear.scatter [tilespmem:s22], [sflag:$0x10], $0x2800, $0x38;
	[tilespmem:$0x1A900] =	vst v63  }
0x87: {  	_ =	swait.ge @p0 [sflag:s4], $0x2800  }
0x88: {  	[sflag:s4] =	ssyncset.done @p0 $0x0  }
0x89: {  	[sflag:s4] =	ssyncadd.s32 @p0 $0xFFFFD800;
	s4 =	simm.s32 @p0 $0x10900  }
0x8a: {  	[hbm4b:s8+s25] =	stream.linear.scatter @p0 [tilespmem:s4], [sflag:$0x11], $0x2800, $0x38;
	[tilespmem:$0x1A900] =	vst v63  }
0x8b: {  	s4 =	simm.s32 @!p0 $0xF  }
0x8c: {  	_ =	swait.ge @!p0 [sflag:s4], $0x2800  }
0x8d: {  	[sflag:s4] =	ssyncset.done @!p0 $0x0  }
0x8e: {  	[sflag:s4] =	ssyncadd.s32 @!p0 $0xFFFFD800;
	s4 =	sadd.s32 @!p0 $0x460, s23  }
0x8f: {  	[tilespmem:s11], [sflag:$0x5] =	stream.indirect.gather @!p0 [hbm4b:s1+s24], $0x80, s4, s24, $0xb8;
	[tilespmem:$0x1A900] =	vst v63  }
0x90: {  	s4 =	simm.s32 @!p0 $0x7  }
0x91: {  	_ =	swait.ge @!p0 [sflag:s4], $0x2800  }
0x92: {  	[sflag:s4] =	ssyncset.done @!p0 $0x0  }
0x93: {  	s11 =	simm.s32 @!p0 $0x10900;
	[sflag:s4] =	ssyncadd.s32 @!p0 $0xFFFFD800;
	s4 =	sadd.s32 @!p0 $0xFFFFF100, s20  }
0x94: {  	[hbm4b:s4+s28] =	stream.linear.scatter @!p0 [tilespmem:s11], [sflag:$0x11], $0x2800, $0x38;
	[tilespmem:$0x1A900] =	vst v63  }
0x95: {  	s4 =	simm.s32 @!p0 $0x10  }
0x96: {  	_ =	swait.ge @!p0 [sflag:s4], $0x2800  }
0x97: {  	[sflag:s4] =	ssyncset.done @!p0 $0x0  }
0x98: {  	s30 =	simm.s32 @!p0 $0xE100;
	[sflag:s4] =	ssyncadd.s32 @!p0 $0xFFFFD800;
	s4 =	sadd.s32 @!p0 $0x4B0, s23  }
0x99: {  	[tilespmem:s30], [sflag:$0x6] =	stream.indirect.gather @!p0 [hbm4b:s1+s24], $0x80, s4, s24, $0xb8;
	[tilespmem:$0x1A900] =	vst v63  }
0x9a: {  	_ =	swait.ge [sflag:s17], $0x2800  }
0x9b: {  	[sflag:s17] =	ssyncset.done $0x0  }
0x9c: {  	s30 =	sadd.s32 $0xFFFFF600, s20;
	s4 =	simm.s32 @p0 $0x9;
	[sflag:s17] =	ssyncadd.s32 $0xFFFFD800  }
0x9d: {  	[hbm4b:s30+s3] =	stream.linear.scatter [tilespmem:s26], [sflag:$0x12], $0x2800, $0x38;
	[tilespmem:$0x1A900] =	vst v63  }
0x9e: {  	_ =	swait.ge @p0 [sflag:s4], $0x2800  }
0x9f: {  	[sflag:s4] =	ssyncset.done @p0 $0x0  }
0xa0: {  	[sflag:s4] =	ssyncadd.s32 @p0 $0xFFFFD800;
	s4 =	simm.s32 @p0 $0x15900  }
0xa1: {  	[hbm4b:s9+s25] =	stream.linear.scatter @p0 [tilespmem:s4], [sflag:$0x13], $0x2800, $0x38;
	[tilespmem:$0x1A900] =	vst v63  }
0xa2: {  	s4 =	simm.s32 @!p0 $0x11  }
0xa3: {  	_ =	swait.ge @!p0 [sflag:s4], $0x2800  }
0xa4: {  	[sflag:s4] =	ssyncset.done @!p0 $0x0  }
0xa5: {  	[sflag:s4] =	ssyncadd.s32 @!p0 $0xFFFFD800;
	s4 =	sadd.s32 @!p0 $0x500, s23  }
0xa6: {  	[tilespmem:s11], [sflag:$0x7] =	stream.indirect.gather @!p0 [hbm4b:s1+s24], $0x80, s4, s24, $0xb8;
	[tilespmem:$0x1A900] =	vst v63  }
0xa7: {  	s4 =	simm.s32 @!p0 $0x9  }
0xa8: {  	_ =	swait.ge @!p0 [sflag:s4], $0x2800  }
0xa9: {  	[sflag:s4] =	ssyncset.done @!p0 $0x0  }
0xaa: {  	s11 =	simm.s32 @!p0 $0x15900;
	[sflag:s4] =	ssyncadd.s32 @!p0 $0xFFFFD800;
	s4 =	sadd.s32 @!p0 $0xFFFFFB00, s20  }
0xab: {  	[hbm4b:s4+s28] =	stream.linear.scatter @!p0 [tilespmem:s11], [sflag:$0x13], $0x2800, $0x38;
	[tilespmem:$0x1A900] =	vst v63  }
0xac: {  	s4 =	simm.s32 @!p0 $0x12  }
0xad: {  	_ =	swait.ge @!p0 [sflag:s4], $0x2800  }
0xae: {  	[sflag:s4] =	ssyncset.done @!p0 $0x0  }
0xaf: {  	s11 =	simm.s32 @!p0 $0x13100;
	[sflag:s4] =	ssyncadd.s32 @!p0 $0xFFFFD800;
	s4 =	sadd.s32 @!p0 $0x550, s23  }
0xb0: {  	[tilespmem:s11], [sflag:$0x8] =	stream.indirect.gather @!p0 [hbm4b:s1+s24], $0x80, s4, s24, $0xb8;
	[tilespmem:$0x1A900] =	vst v63  }
.Ltmp2:
0xb1: {  	_ = 	snop;
	(pc) =	sbr.rel @p0 .LBB2_4-.Ltmp2, $4  }
0xb2: {  	_ =	swait.ge [sflag:s19], $0x2800  }
0xb3: {  	[sflag:s19] =	ssyncset.done $0x0  }
0xb4: {  	[sflag:s19] =	ssyncadd.s32 $0xFFFFD800  }
0xb5: {  	[hbm4b:s20+s3] =	stream.linear.scatter [tilespmem:s31], [sflag:$0x14], $0x2800, $0x38;
	[tilespmem:$0x1A900] =	vst v63  }
0xb6: {  	_ =	swait.ge [sflag:s5], $0x2800  }
0xb7: {  	s4 =	sshra.s32 s21, $0x2;
	[sflag:s5] =	ssyncset.done $0x0  }
0xb8: {  	s11 =	sadd.s32 $0x5A0, s4;
	[sflag:s5] =	ssyncadd.s32 $0xFFFFD800  }
0xb9: {  	[tilespmem:s29], [sflag:$0x9] =	stream.indirect.gather [hbm4b:s1+s12], $0x80, s11, s12, $0xb8;
	[tilespmem:$0x1A900] =	vst v63  }
.Ltmp3:
0xba: {  	_ = 	snop;
	(pc) =	sbr.rel .LBB2_2-.Ltmp3, $4  }
0xbb: {  	_ =	swait.ge [sflag:s10], $0x2800  }
0xbc: {  	s21 =	sadd.s32 $0xC80, s21;
	[sflag:s10] =	ssyncset.done $0x0  }
0xbd: {  	s20 =	sadd.s32 $0x3200, s20;
	s4 =	sadd.s32 $0x5F0, s4;
	[sflag:s10] =	ssyncadd.s32 $0xFFFFD800  }
0xbe: {  	[tilespmem:s31], [sflag:$0xA] =	stream.indirect.gather [hbm4b:s1+s12], $0x80, s4, s12, $0xb8;
	[tilespmem:$0x1A900] =	vst v63  }
.LBB2_5:
0xbf: {  	_ =	sfence.sel $0x180000  }
0xc0: {  	[bflag:$0x0] =	sbarrier.arrive $0xFFFF  }
0xc1: {  	_ =	strace $0x90000047  }
0xc2: {  	s0 =	stileid.u32;
	[bflag:$0x2] =	sbarrier.arrive $0xFFFF  }
0xc3: {  	p0 =	sne.s32 s0, $0x0;
	s0 =	rddreg [dreg:$0x3]  }
0xc4: {  	s0 =	sadd.s32 @!p0 $0x100000, s0  }
0xc5: {  	[sflag:s0] =	ssyncadd.tile.s32 @!p0 $0x1;
	_ =	shalt  }
.Lfunc_end2:
_tile_overlayer_lowered:
.L_overlay_start_2:
0xc6: {  	(tag) =	ssettag $0x2  }
0xc7: {  	s0 =	rddreg [dreg:$0x0];
	s2 =	stileid.u32  }
0xc8: {  	s1 =	rddreg [dreg:$0x1];
	p0 =	sne.s32 s2, $0x0  }
0xc9: {  	s3 =	rddreg [dreg:$0x2];
	[bflag:$0x3] =	sbarrier.arrive $0xFFFF;
	s2 =	simm.s32 @!p0 $0x1C15  }
0xca: {  	[timem:s3], [sflag:s2] =	dma.local @!p0 [hbm:s0], s1  }
0xcb: {  	s0 =	simm.s32 @!p0 $0x15  }
0xcc: {  	_ =	swait.ge @!p0 [sflag:s0], s1  }
0xcd: {  	s1 =	ssub.s32 @!p0 $0x0, s1;
	[sflag:s0] =	ssyncset.done @!p0 $0x0  }
0xce: {  	[sflag:s0] =	ssyncadd.s32 @!p0 s1  }
0xcf: {  	[bflag:$0x3] =	sbarrier.arrive $0xFFFF  }
0xd0: {  	_ =	shalt  }

</sc_bundles>
